<compile_context>
chip_gen: v7x
topology: tpu7x:2x2x1
jax: 0.10.2.dev20260603
libtpu: 0.0.44.dev20260713+nightly
codegen_flags: <defaults>
</compile_context>

<pallas_src>
import functools

import jax
import jax.numpy as jnp
from jax import lax
from jax.experimental import pallas as pl
from jax.experimental.pallas import tpu as pltpu
from jax.experimental.pallas import tpu_sc as plsc

_NC = 2
_NS = 16
_NW = _NC * _NS
_CHUNK = 128
_NBUF = 4
_SP_SLOTS = (1, 3)


def _gather_sc(idx_flat, table):
    n, = idx_flat.shape
    _, d = table.shape
    b_per_w = n // _NW
    n_chunks = b_per_w // _CHUNK
    n_outer = n_chunks // _NBUF
    mesh = plsc.VectorSubcoreMesh(core_axis_name="c", subcore_axis_name="s")

    @functools.partial(
        pl.kernel,
        mesh=mesh,
        out_type=jax.ShapeDtypeStruct((n, d), jnp.float32),
        scratch_types=(
            [
                pltpu.VMEM((b_per_w,), jnp.int32),
                pltpu.VMEM((_NBUF, _CHUNK, d), jnp.float32),
                pltpu.VMEM_SHARED((_NS, len(_SP_SLOTS), _CHUNK, d), jnp.float32),
            ]
            + [pltpu.SemaphoreType.DMA] * (3 * _NBUF)
        ),
    )
    def k(idx_hbm, table_hbm, out_hbm, idx_v, rows_v, sp_v, *sems):
        gsems = sems[:_NBUF]
        osems = sems[_NBUF:2 * _NBUF]
        csems = sems[2 * _NBUF:]
        cid = lax.axis_index("c")
        sid = lax.axis_index("s")
        wid = sid * _NC + cid
        base = wid * b_per_w
        pltpu.sync_copy(idx_hbm.at[pl.ds(base, b_per_w)], idx_v)

        def g_copy(j, b):
            return pltpu.make_async_copy(
                table_hbm.at[idx_v.at[pl.ds(j * _CHUNK, _CHUNK)]],
                rows_v.at[b],
                gsems[b],
            )

        def x_copy(b):
            return pltpu.make_async_copy(
                rows_v.at[b],
                sp_v.at[sid, _SP_SLOTS.index(b)],
                csems[b],
            )

        def o_copy(j, b):
            if b in _SP_SLOTS:
                src = sp_v.at[sid, _SP_SLOTS.index(b)]
            else:
                src = rows_v.at[b]
            return pltpu.make_async_copy(
                src,
                out_hbm.at[pl.ds(base + j * _CHUNK, _CHUNK)],
                osems[b],
            )

        def emit_slot(j, b, refill):
            g_copy(j, b).wait()
            if b in _SP_SLOTS:
                x_copy(b).start()
                x_copy(b).wait()
                o_copy(j, b).start()
                if refill:
                    g_copy(j + _NBUF, b).start()
                o_copy(j, b).wait()
            else:
                o_copy(j, b).start()
                o_copy(j, b).wait()
                if refill:
                    g_copy(j + _NBUF, b).start()

        for b in range(_NBUF):
            g_copy(b, b).start()

        def outer(g, carry):
            j0 = g * _NBUF
            for b in range(_NBUF):
                emit_slot(j0 + b, b, True)
            return carry

        lax.fori_loop(0, n_outer - 1, outer, 0)

        j0 = (n_outer - 1) * _NBUF
        for b in range(_NBUF):
            emit_slot(j0 + b, b, False)

    return k(idx_flat, table)


def kernel(actions, table):
    b, t = actions.shape
    flat = actions.reshape(b * t).astype(jnp.int32)
    out = _gather_sc(flat, table)
    return out.reshape(b, t, table.shape[1])

# --- scband reference (transcript-rebuilt; emitter-appended) ---
"""Pipeline reference for scband-discrete-action-encoder-44890998178445 (READ-ONLY COPY).

The authoritative reference and input builder live on the scoring server;
editing this copy changes nothing except your own understanding.
"""

import jax, jax.numpy as jnp
import numpy as np

NUM_ACTIONS = 100000
EMB_DIM = 128
B, T = 4096, 200

def setup_inputs(seed: int = 0) -> dict:
    key = jax.random.key(seed)
    k1, k2 = jax.random.split(key)
    actions = jax.random.randint(k1, (B, T), 0, NUM_ACTIONS, dtype=jnp.int64 if jax.config.jax_enable_x64 else jnp.int32)
    # nn.Embedding default init: N(0, 1)
    table = jax.random.normal(k2, (NUM_ACTIONS, EMB_DIM), dtype=jnp.float32)
    return {"actions": actions, "table": table}

def reference(actions, table):
    # actions is 2D [B, T]; embedding lookup -> [B, T, emb_dim]
    embeddings = jnp.take(table, actions, axis=0)
    # dropout=0.0 -> no dropout layer applied
    return embeddings

if __name__ == "__main__":
    import jax
    _d = setup_inputs()
    print(jax.jit(kernel)(*tuple(_d.values())))

</pallas_src>

<mosaic_0001>
#map = affine_map<(d0, d1) -> (0)>
#map1 = affine_map<(d0, d1) -> (0, 0)>
module attributes {stable_mosaic.version = 14 : i64} {
  func.func @k(%arg0: i32, %arg1: i32, %arg2: memref<819200xi32, #tpu.memory_space<hbm>>, %arg3: memref<100000x128xf32, #tpu.memory_space<hbm>>, %arg4: memref<819200x128xf32, #tpu.memory_space<hbm>>, %arg5: memref<25600xi32, #tpu.memory_space<vmem>>, %arg6: memref<4x128x128xf32, #tpu.memory_space<vmem>>, %arg7: memref<16x2x128x128xf32, #tpu.memory_space<vmem_shared>>, %arg8: memref<!tpu.dma_semaphore, #tpu.memory_space<semaphore_mem>>, %arg9: memref<!tpu.dma_semaphore, #tpu.memory_space<semaphore_mem>>, %arg10: memref<!tpu.dma_semaphore, #tpu.memory_space<semaphore_mem>>, %arg11: memref<!tpu.dma_semaphore, #tpu.memory_space<semaphore_mem>>, %arg12: memref<!tpu.dma_semaphore, #tpu.memory_space<semaphore_mem>>, %arg13: memref<!tpu.dma_semaphore, #tpu.memory_space<semaphore_mem>>, %arg14: memref<!tpu.dma_semaphore, #tpu.memory_space<semaphore_mem>>, %arg15: memref<!tpu.dma_semaphore, #tpu.memory_space<semaphore_mem>>, %arg16: memref<!tpu.dma_semaphore, #tpu.memory_space<semaphore_mem>>, %arg17: memref<!tpu.dma_semaphore, #tpu.memory_space<semaphore_mem>>, %arg18: memref<!tpu.dma_semaphore, #tpu.memory_space<semaphore_mem>>, %arg19: memref<!tpu.dma_semaphore, #tpu.memory_space<semaphore_mem>>) attributes {dimension_semantics = [#tpu.dimension_semantics<core_parallel>, #tpu.dimension_semantics<subcore_parallel>], iteration_bounds = array<i64: 2, 16>, scalar_prefetch = 0 : i64, scratch_operands = 15 : i64, tpu.core_type = #tpu.core_type<sc_vector_subcore>, window_params = [{transform_indices = #map}, {transform_indices = #map1}, {transform_indices = #map1}]} {
    %mul3A = arith.constant 2 : i32
    %mul3A_0 = arith.muli %arg1, %mul3A : i32
    %add3A = arith.addi %mul3A_0, %arg0 : i32
    %mul3A_1 = arith.constant 25600 : i32
    %mul3A_2 = arith.muli %add3A, %mul3A_1 : i32
    "tpu.region"() ({
      %run_scoped3A = tpu.sem_alloc : memref<!tpu.dma_semaphore, #tpu.memory_space<semaphore_mem>>
      %dma_start3A_254 = tpu.memref_slice %arg2[%mul3A_2] : memref<819200xi32, #tpu.memory_space<hbm>> -> memref<25600xi32, #tpu.memory_space<hbm>>
      %dma_start3A_255 = tpu.memref_slice %arg2[%mul3A_2] : memref<819200xi32, #tpu.memory_space<hbm>> -> memref<25600xi32, #tpu.memory_space<hbm>>
      tpu.enqueue_dma source(%dma_start3A_255 : memref<25600xi32, #tpu.memory_space<hbm>>) target(%arg5 : memref<25600xi32, #tpu.memory_space<vmem>>) target_semaphore(%run_scoped3A : memref<!tpu.dma_semaphore, #tpu.memory_space<semaphore_mem>>)
      %dma_wait3A_256 = tpu.memref_slice %arg2[%mul3A_2] : memref<819200xi32, #tpu.memory_space<hbm>> -> memref<25600xi32, #tpu.memory_space<hbm>>
      %dma_wait3A_257 = tpu.memref_slice %arg2[%mul3A_2] : memref<819200xi32, #tpu.memory_space<hbm>> -> memref<25600xi32, #tpu.memory_space<hbm>>
      tpu.wait_dma2 semaphore(%run_scoped3A : memref<!tpu.dma_semaphore, #tpu.memory_space<semaphore_mem>>) src(%dma_wait3A_257 : memref<25600xi32, #tpu.memory_space<hbm>>) dst(%arg5 : memref<25600xi32, #tpu.memory_space<vmem>>)
      tpu.yield
    }) : () -> ()
    %dma_start3A = arith.constant 0 : i32
    %dma_start3A_3 = arith.constant 0 : i32
    %dma_start3A_4 = arith.constant 0 : i32
    %dma_start3A_5 = tpu.memref_slice %arg6[%dma_start3A, %dma_start3A_3, %dma_start3A_4] : memref<4x128x128xf32, #tpu.memory_space<vmem>> -> memref<1x128x128xf32, #tpu.memory_space<vmem>>
    %dma_start3A_6 = tpu.memref_squeeze %dma_start3A_5 : memref<1x128x128xf32, #tpu.memory_space<vmem>> -> memref<128x128xf32, #tpu.memory_space<vmem>>
    %dma_start3A_7 = arith.constant 0 : i32
    %dma_start3A_8 = tpu.memref_slice %arg5[%dma_start3A_7] : memref<25600xi32, #tpu.memory_space<vmem>> -> memref<128xi32, #tpu.memory_space<vmem>>
    %dma_start3A_9 = arith.constant 0 : i32
    %dma_start3A_10 = arith.constant 0 : i32
    %dma_start3A_11 = tpu.memref_slice %arg3[%dma_start3A_9, %dma_start3A_10] : memref<100000x128xf32, #tpu.memory_space<hbm>> -> memref<100000x128xf32, #tpu.memory_space<hbm>>
    tpu.enqueue_indirect_dma source(%dma_start3A_11 : memref<100000x128xf32, #tpu.memory_space<hbm>>) target(%dma_start3A_6 : memref<128x128xf32, #tpu.memory_space<vmem>>) offsets(%dma_start3A_8 : memref<128xi32, #tpu.memory_space<vmem>>) semaphore(%arg8 : memref<!tpu.dma_semaphore, #tpu.memory_space<semaphore_mem>>)
    %dma_start3A_12 = arith.constant 1 : i32
    %dma_start3A_13 = arith.constant 0 : i32
    %dma_start3A_14 = arith.constant 0 : i32
    %dma_start3A_15 = tpu.memref_slice %arg6[%dma_start3A_12, %dma_start3A_13, %dma_start3A_14] : memref<4x128x128xf32, #tpu.memory_space<vmem>> -> memref<1x128x128xf32, #tpu.memory_space<vmem>>
    %dma_start3A_16 = tpu.memref_squeeze %dma_start3A_15 : memref<1x128x128xf32, #tpu.memory_space<vmem>> -> memref<128x128xf32, #tpu.memory_space<vmem>>
    %dma_start3A_17 = arith.constant 128 : i32
    %dma_start3A_18 = tpu.memref_slice %arg5[%dma_start3A_17] : memref<25600xi32, #tpu.memory_space<vmem>> -> memref<128xi32, #tpu.memory_space<vmem>>
    %dma_start3A_19 = arith.constant 0 : i32
    %dma_start3A_20 = arith.constant 0 : i32
    %dma_start3A_21 = tpu.memref_slice %arg3[%dma_start3A_19, %dma_start3A_20] : memref<100000x128xf32, #tpu.memory_space<hbm>> -> memref<100000x128xf32, #tpu.memory_space<hbm>>
    tpu.enqueue_indirect_dma source(%dma_start3A_21 : memref<100000x128xf32, #tpu.memory_space<hbm>>) target(%dma_start3A_16 : memref<128x128xf32, #tpu.memory_space<vmem>>) offsets(%dma_start3A_18 : memref<128xi32, #tpu.memory_space<vmem>>) semaphore(%arg9 : memref<!tpu.dma_semaphore, #tpu.memory_space<semaphore_mem>>)
    %dma_start3A_22 = arith.constant 2 : i32
    %dma_start3A_23 = arith.constant 0 : i32
    %dma_start3A_24 = arith.constant 0 : i32
    %dma_start3A_25 = tpu.memref_slice %arg6[%dma_start3A_22, %dma_start3A_23, %dma_start3A_24] : memref<4x128x128xf32, #tpu.memory_space<vmem>> -> memref<1x128x128xf32, #tpu.memory_space<vmem>>
    %dma_start3A_26 = tpu.memref_squeeze %dma_start3A_25 : memref<1x128x128xf32, #tpu.memory_space<vmem>> -> memref<128x128xf32, #tpu.memory_space<vmem>>
    %dma_start3A_27 = arith.constant 256 : i32
    %dma_start3A_28 = tpu.memref_slice %arg5[%dma_start3A_27] : memref<25600xi32, #tpu.memory_space<vmem>> -> memref<128xi32, #tpu.memory_space<vmem>>
    %dma_start3A_29 = arith.constant 0 : i32
    %dma_start3A_30 = arith.constant 0 : i32
    %dma_start3A_31 = tpu.memref_slice %arg3[%dma_start3A_29, %dma_start3A_30] : memref<100000x128xf32, #tpu.memory_space<hbm>> -> memref<100000x128xf32, #tpu.memory_space<hbm>>
    tpu.enqueue_indirect_dma source(%dma_start3A_31 : memref<100000x128xf32, #tpu.memory_space<hbm>>) target(%dma_start3A_26 : memref<128x128xf32, #tpu.memory_space<vmem>>) offsets(%dma_start3A_28 : memref<128xi32, #tpu.memory_space<vmem>>) semaphore(%arg10 : memref<!tpu.dma_semaphore, #tpu.memory_space<semaphore_mem>>)
    %dma_start3A_32 = arith.constant 3 : i32
    %dma_start3A_33 = arith.constant 0 : i32
    %dma_start3A_34 = arith.constant 0 : i32
    %dma_start3A_35 = tpu.memref_slice %arg6[%dma_start3A_32, %dma_start3A_33, %dma_start3A_34] : memref<4x128x128xf32, #tpu.memory_space<vmem>> -> memref<1x128x128xf32, #tpu.memory_space<vmem>>
    %dma_start3A_36 = tpu.memref_squeeze %dma_start3A_35 : memref<1x128x128xf32, #tpu.memory_space<vmem>> -> memref<128x128xf32, #tpu.memory_space<vmem>>
    %dma_start3A_37 = arith.constant 384 : i32
    %dma_start3A_38 = tpu.memref_slice %arg5[%dma_start3A_37] : memref<25600xi32, #tpu.memory_space<vmem>> -> memref<128xi32, #tpu.memory_space<vmem>>
    %dma_start3A_39 = arith.constant 0 : i32
    %dma_start3A_40 = arith.constant 0 : i32
    %dma_start3A_41 = tpu.memref_slice %arg3[%dma_start3A_39, %dma_start3A_40] : memref<100000x128xf32, #tpu.memory_space<hbm>> -> memref<100000x128xf32, #tpu.memory_space<hbm>>
    tpu.enqueue_indirect_dma source(%dma_start3A_41 : memref<100000x128xf32, #tpu.memory_space<hbm>>) target(%dma_start3A_36 : memref<128x128xf32, #tpu.memory_space<vmem>>) offsets(%dma_start3A_38 : memref<128xi32, #tpu.memory_space<vmem>>) semaphore(%arg11 : memref<!tpu.dma_semaphore, #tpu.memory_space<semaphore_mem>>)
    %scan3A = arith.constant 0 : i32
    %scan3A_42 = arith.constant 0 : i32
    %scan3A_43 = arith.constant 49 : i32
    %scan3A_44 = arith.addi %scan3A_42, %scan3A_43 : i32
    %scan3A_45 = arith.constant 1 : i32
    scf.for %scan3A_254 = %scan3A_42 to %scan3A_44 step %scan3A_45  : i32 {
      %mul3A_255 = arith.constant 4 : i32
      %mul3A_256 = arith.muli %scan3A_254, %mul3A_255 : i32
      %add3A_257 = arith.constant 0 : i32
      %add3A_258 = arith.addi %mul3A_256, %add3A_257 : i32
      %mul3A_259 = arith.constant 128 : i32
      %mul3A_260 = arith.muli %add3A_258, %mul3A_259 : i32
      %dma_wait3A_261 = arith.constant 0 : i32
      %dma_wait3A_262 = arith.constant 0 : i32
      %dma_wait3A_263 = arith.constant 0 : i32
      %dma_wait3A_264 = tpu.memref_slice %arg6[%dma_wait3A_261, %dma_wait3A_262, %dma_wait3A_263] : memref<4x128x128xf32, #tpu.memory_space<vmem>> -> memref<1x128x128xf32, #tpu.memory_space<vmem>>
      %dma_wait3A_265 = tpu.memref_squeeze %dma_wait3A_264 : memref<1x128x128xf32, #tpu.memory_space<vmem>> -> memref<128x128xf32, #tpu.memory_space<vmem>>
      %dma_wait3A_266 = tpu.memref_slice %arg5[%mul3A_260] : memref<25600xi32, #tpu.memory_space<vmem>> -> memref<128xi32, #tpu.memory_space<vmem>>
      %dma_wait3A_267 = arith.constant 0 : i32
      %dma_wait3A_268 = arith.constant 0 : i32
      %dma_wait3A_269 = tpu.memref_slice %arg3[%dma_wait3A_267, %dma_wait3A_268] : memref<100000x128xf32, #tpu.memory_space<hbm>> -> memref<100000x128xf32, #tpu.memory_space<hbm>>
      tpu.wait_indirect_dma semaphore(%arg8 : memref<!tpu.dma_semaphore, #tpu.memory_space<semaphore_mem>>) src(%dma_wait3A_269 : memref<100000x128xf32, #tpu.memory_space<hbm>>) dst(%dma_wait3A_265 : memref<128x128xf32, #tpu.memory_space<vmem>>)
      %mul3A_270 = arith.constant 128 : i32
      %mul3A_271 = arith.muli %add3A_258, %mul3A_270 : i32
      %add3A_272 = arith.addi %mul3A_2, %mul3A_271 : i32
      %dma_start3A_273 = arith.constant 0 : i32
      %dma_start3A_274 = arith.constant 0 : i32
      %dma_start3A_275 = arith.constant 0 : i32
      %dma_start3A_276 = tpu.memref_slice %arg6[%dma_start3A_273, %dma_start3A_274, %dma_start3A_275] : memref<4x128x128xf32, #tpu.memory_space<vmem>> -> memref<1x128x128xf32, #tpu.memory_space<vmem>>
      %dma_start3A_277 = tpu.memref_squeeze %dma_start3A_276 : memref<1x128x128xf32, #tpu.memory_space<vmem>> -> memref<128x128xf32, #tpu.memory_space<vmem>>
      %dma_start3A_278 = arith.constant 0 : i32
      %dma_start3A_279 = tpu.memref_slice %arg4[%add3A_272, %dma_start3A_278] : memref<819200x128xf32, #tpu.memory_space<hbm>> -> memref<128x128xf32, #tpu.memory_space<hbm>>
      %dma_start3A_280 = arith.constant 0 : i32
      %dma_start3A_281 = tpu.memref_slice %arg4[%add3A_272, %dma_start3A_280] : memref<819200x128xf32, #tpu.memory_space<hbm>> -> memref<128x128xf32, #tpu.memory_space<hbm>>
      %dma_start3A_282 = arith.constant 0 : i32
      %dma_start3A_283 = arith.constant 0 : i32
      %dma_start3A_284 = tpu.memref_slice %arg6[%dma_start3A_273, %dma_start3A_282, %dma_start3A_283] : memref<4x128x128xf32, #tpu.memory_space<vmem>> -> memref<1x128x128xf32, #tpu.memory_space<vmem>>
      %dma_start3A_285 = tpu.memref_squeeze %dma_start3A_284 : memref<1x128x128xf32, #tpu.memory_space<vmem>> -> memref<128x128xf32, #tpu.memory_space<vmem>>
      tpu.enqueue_dma source(%dma_start3A_285 : memref<128x128xf32, #tpu.memory_space<vmem>>) target(%dma_start3A_281 : memref<128x128xf32, #tpu.memory_space<hbm>>) target_semaphore(%arg12 : memref<!tpu.dma_semaphore, #tpu.memory_space<semaphore_mem>>)
      %mul3A_286 = arith.constant 128 : i32
      %mul3A_287 = arith.muli %add3A_258, %mul3A_286 : i32
      %add3A_288 = arith.addi %mul3A_2, %mul3A_287 : i32
      %dma_wait3A_289 = arith.constant 0 : i32
      %dma_wait3A_290 = arith.constant 0 : i32
      %dma_wait3A_291 = arith.constant 0 : i32
      %dma_wait3A_292 = tpu.memref_slice %arg6[%dma_wait3A_289, %dma_wait3A_290, %dma_wait3A_291] : memref<4x128x128xf32, #tpu.memory_space<vmem>> -> memref<1x128x128xf32, #tpu.memory_space<vmem>>
      %dma_wait3A_293 = tpu.memref_squeeze %dma_wait3A_292 : memref<1x128x128xf32, #tpu.memory_space<vmem>> -> memref<128x128xf32, #tpu.memory_space<vmem>>
      %dma_wait3A_294 = arith.constant 0 : i32
      %dma_wait3A_295 = tpu.memref_slice %arg4[%add3A_288, %dma_wait3A_294] : memref<819200x128xf32, #tpu.memory_space<hbm>> -> memref<128x128xf32, #tpu.memory_space<hbm>>
      %dma_wait3A_296 = arith.constant 0 : i32
      %dma_wait3A_297 = tpu.memref_slice %arg4[%add3A_288, %dma_wait3A_296] : memref<819200x128xf32, #tpu.memory_space<hbm>> -> memref<128x128xf32, #tpu.memory_space<hbm>>
      %dma_wait3A_298 = arith.constant 0 : i32
      %dma_wait3A_299 = arith.constant 0 : i32
      %dma_wait3A_300 = tpu.memref_slice %arg6[%dma_wait3A_289, %dma_wait3A_298, %dma_wait3A_299] : memref<4x128x128xf32, #tpu.memory_space<vmem>> -> memref<1x128x128xf32, #tpu.memory_space<vmem>>
      %dma_wait3A_301 = tpu.memref_squeeze %dma_wait3A_300 : memref<1x128x128xf32, #tpu.memory_space<vmem>> -> memref<128x128xf32, #tpu.memory_space<vmem>>
      tpu.wait_dma2 semaphore(%arg12 : memref<!tpu.dma_semaphore, #tpu.memory_space<semaphore_mem>>) src(%dma_wait3A_301 : memref<128x128xf32, #tpu.memory_space<vmem>>) dst(%dma_wait3A_297 : memref<128x128xf32, #tpu.memory_space<hbm>>)
      %add3A_302 = arith.constant 4 : i32
      %add3A_303 = arith.addi %add3A_258, %add3A_302 : i32
      %mul3A_304 = arith.constant 128 : i32
      %mul3A_305 = arith.muli %add3A_303, %mul3A_304 : i32
      %dma_start3A_306 = arith.constant 0 : i32
      %dma_start3A_307 = arith.constant 0 : i32
      %dma_start3A_308 = arith.constant 0 : i32
      %dma_start3A_309 = tpu.memref_slice %arg6[%dma_start3A_306, %dma_start3A_307, %dma_start3A_308] : memref<4x128x128xf32, #tpu.memory_space<vmem>> -> memref<1x128x128xf32, #tpu.memory_space<vmem>>
      %dma_start3A_310 = tpu.memref_squeeze %dma_start3A_309 : memref<1x128x128xf32, #tpu.memory_space<vmem>> -> memref<128x128xf32, #tpu.memory_space<vmem>>
      %dma_start3A_311 = tpu.memref_slice %arg5[%mul3A_305] : memref<25600xi32, #tpu.memory_space<vmem>> -> memref<128xi32, #tpu.memory_space<vmem>>
      %dma_start3A_312 = arith.constant 0 : i32
      %dma_start3A_313 = arith.constant 0 : i32
      %dma_start3A_314 = tpu.memref_slice %arg3[%dma_start3A_312, %dma_start3A_313] : memref<100000x128xf32, #tpu.memory_space<hbm>> -> memref<100000x128xf32, #tpu.memory_space<hbm>>
      tpu.enqueue_indirect_dma source(%dma_start3A_314 : memref<100000x128xf32, #tpu.memory_space<hbm>>) target(%dma_start3A_310 : memref<128x128xf32, #tpu.memory_space<vmem>>) offsets(%dma_start3A_311 : memref<128xi32, #tpu.memory_space<vmem>>) semaphore(%arg8 : memref<!tpu.dma_semaphore, #tpu.memory_space<semaphore_mem>>)
      %add3A_315 = arith.constant 1 : i32
      %add3A_316 = arith.addi %mul3A_256, %add3A_315 : i32
      %mul3A_317 = arith.constant 128 : i32
      %mul3A_318 = arith.muli %add3A_316, %mul3A_317 : i32
      %dma_wait3A_319 = arith.constant 1 : i32
      %dma_wait3A_320 = arith.constant 0 : i32
      %dma_wait3A_321 = arith.constant 0 : i32
      %dma_wait3A_322 = tpu.memref_slice %arg6[%dma_wait3A_319, %dma_wait3A_320, %dma_wait3A_321] : memref<4x128x128xf32, #tpu.memory_space<vmem>> -> memref<1x128x128xf32, #tpu.memory_space<vmem>>
      %dma_wait3A_323 = tpu.memref_squeeze %dma_wait3A_322 : memref<1x128x128xf32, #tpu.memory_space<vmem>> -> memref<128x128xf32, #tpu.memory_space<vmem>>
      %dma_wait3A_324 = tpu.memref_slice %arg5[%mul3A_318] : memref<25600xi32, #tpu.memory_space<vmem>> -> memref<128xi32, #tpu.memory_space<vmem>>
      %dma_wait3A_325 = arith.constant 0 : i32
      %dma_wait3A_326 = arith.constant 0 : i32
      %dma_wait3A_327 = tpu.memref_slice %arg3[%dma_wait3A_325, %dma_wait3A_326] : memref<100000x128xf32, #tpu.memory_space<hbm>> -> memref<100000x128xf32, #tpu.memory_space<hbm>>
      tpu.wait_indirect_dma semaphore(%arg9 : memref<!tpu.dma_semaphore, #tpu.memory_space<semaphore_mem>>) src(%dma_wait3A_327 : memref<100000x128xf32, #tpu.memory_space<hbm>>) dst(%dma_wait3A_323 : memref<128x128xf32, #tpu.memory_space<vmem>>)
      %dma_start3A_328 = arith.constant 1 : i32
      %dma_start3A_329 = arith.constant 0 : i32
      %dma_start3A_330 = arith.constant 0 : i32
      %dma_start3A_331 = arith.constant 0 : i32
      %dma_start3A_332 = tpu.memref_slice %arg6[%dma_start3A_328, %dma_start3A_330, %dma_start3A_331] : memref<4x128x128xf32, #tpu.memory_space<vmem>> -> memref<1x128x128xf32, #tpu.memory_space<vmem>>
      %dma_start3A_333 = tpu.memref_squeeze %dma_start3A_332 : memref<1x128x128xf32, #tpu.memory_space<vmem>> -> memref<128x128xf32, #tpu.memory_space<vmem>>
      %dma_start3A_334 = arith.constant 0 : i32
      %dma_start3A_335 = arith.constant 0 : i32
      %dma_start3A_336 = tpu.memref_slice %arg7[%arg1, %dma_start3A_329, %dma_start3A_334, %dma_start3A_335] : memref<16x2x128x128xf32, #tpu.memory_space<vmem_shared>> -> memref<1x1x128x128xf32, #tpu.memory_space<vmem_shared>>
      %dma_start3A_337 = tpu.memref_squeeze %dma_start3A_336 : memref<1x1x128x128xf32, #tpu.memory_space<vmem_shared>> -> memref<128x128xf32, #tpu.memory_space<vmem_shared>>
      %dma_start3A_338 = arith.constant 0 : i32
      %dma_start3A_339 = arith.constant 0 : i32
      %dma_start3A_340 = tpu.memref_slice %arg7[%arg1, %dma_start3A_329, %dma_start3A_338, %dma_start3A_339] : memref<16x2x128x128xf32, #tpu.memory_space<vmem_shared>> -> memref<1x1x128x128xf32, #tpu.memory_space<vmem_shared>>
      %dma_start3A_341 = tpu.memref_squeeze %dma_start3A_340 : memref<1x1x128x128xf32, #tpu.memory_space<vmem_shared>> -> memref<128x128xf32, #tpu.memory_space<vmem_shared>>
      %dma_start3A_342 = arith.constant 0 : i32
      %dma_start3A_343 = arith.constant 0 : i32
      %dma_start3A_344 = tpu.memref_slice %arg6[%dma_start3A_328, %dma_start3A_342, %dma_start3A_343] : memref<4x128x128xf32, #tpu.memory_space<vmem>> -> memref<1x128x128xf32, #tpu.memory_space<vmem>>
      %dma_start3A_345 = tpu.memref_squeeze %dma_start3A_344 : memref<1x128x128xf32, #tpu.memory_space<vmem>> -> memref<128x128xf32, #tpu.memory_space<vmem>>
      tpu.enqueue_dma source(%dma_start3A_345 : memref<128x128xf32, #tpu.memory_space<vmem>>) target(%dma_start3A_341 : memref<128x128xf32, #tpu.memory_space<vmem_shared>>) target_semaphore(%arg17 : memref<!tpu.dma_semaphore, #tpu.memory_space<semaphore_mem>>)
      %dma_wait3A_346 = arith.constant 1 : i32
      %dma_wait3A_347 = arith.constant 0 : i32
      %dma_wait3A_348 = arith.constant 0 : i32
      %dma_wait3A_349 = arith.constant 0 : i32
      %dma_wait3A_350 = tpu.memref_slice %arg6[%dma_wait3A_346, %dma_wait3A_348, %dma_wait3A_349] : memref<4x128x128xf32, #tpu.memory_space<vmem>> -> memref<1x128x128xf32, #tpu.memory_space<vmem>>
      %dma_wait3A_351 = tpu.memref_squeeze %dma_wait3A_350 : memref<1x128x128xf32, #tpu.memory_space<vmem>> -> memref<128x128xf32, #tpu.memory_space<vmem>>
      %dma_wait3A_352 = arith.constant 0 : i32
      %dma_wait3A_353 = arith.constant 0 : i32
      %dma_wait3A_354 = tpu.memref_slice %arg7[%arg1, %dma_wait3A_347, %dma_wait3A_352, %dma_wait3A_353] : memref<16x2x128x128xf32, #tpu.memory_space<vmem_shared>> -> memref<1x1x128x128xf32, #tpu.memory_space<vmem_shared>>
      %dma_wait3A_355 = tpu.memref_squeeze %dma_wait3A_354 : memref<1x1x128x128xf32, #tpu.memory_space<vmem_shared>> -> memref<128x128xf32, #tpu.memory_space<vmem_shared>>
      %dma_wait3A_356 = arith.constant 0 : i32
      %dma_wait3A_357 = arith.constant 0 : i32
      %dma_wait3A_358 = tpu.memref_slice %arg7[%arg1, %dma_wait3A_347, %dma_wait3A_356, %dma_wait3A_357] : memref<16x2x128x128xf32, #tpu.memory_space<vmem_shared>> -> memref<1x1x128x128xf32, #tpu.memory_space<vmem_shared>>
      %dma_wait3A_359 = tpu.memref_squeeze %dma_wait3A_358 : memref<1x1x128x128xf32, #tpu.memory_space<vmem_shared>> -> memref<128x128xf32, #tpu.memory_space<vmem_shared>>
      %dma_wait3A_360 = arith.constant 0 : i32
      %dma_wait3A_361 = arith.constant 0 : i32
      %dma_wait3A_362 = tpu.memref_slice %arg6[%dma_wait3A_346, %dma_wait3A_360, %dma_wait3A_361] : memref<4x128x128xf32, #tpu.memory_space<vmem>> -> memref<1x128x128xf32, #tpu.memory_space<vmem>>
      %dma_wait3A_363 = tpu.memref_squeeze %dma_wait3A_362 : memref<1x128x128xf32, #tpu.memory_space<vmem>> -> memref<128x128xf32, #tpu.memory_space<vmem>>
      tpu.wait_dma2 semaphore(%arg17 : memref<!tpu.dma_semaphore, #tpu.memory_space<semaphore_mem>>) src(%dma_wait3A_363 : memref<128x128xf32, #tpu.memory_space<vmem>>) dst(%dma_wait3A_359 : memref<128x128xf32, #tpu.memory_space<vmem_shared>>)
      %mul3A_364 = arith.constant 128 : i32
      %mul3A_365 = arith.muli %add3A_316, %mul3A_364 : i32
      %add3A_366 = arith.addi %mul3A_2, %mul3A_365 : i32
      %dma_start3A_367 = arith.constant 0 : i32
      %dma_start3A_368 = arith.constant 0 : i32
      %dma_start3A_369 = tpu.memref_slice %arg4[%add3A_366, %dma_start3A_368] : memref<819200x128xf32, #tpu.memory_space<hbm>> -> memref<128x128xf32, #tpu.memory_space<hbm>>
      %dma_start3A_370 = arith.constant 0 : i32
      %dma_start3A_371 = arith.constant 0 : i32
      %dma_start3A_372 = tpu.memref_slice %arg7[%arg1, %dma_start3A_367, %dma_start3A_370, %dma_start3A_371] : memref<16x2x128x128xf32, #tpu.memory_space<vmem_shared>> -> memref<1x1x128x128xf32, #tpu.memory_space<vmem_shared>>
      %dma_start3A_373 = tpu.memref_squeeze %dma_start3A_372 : memref<1x1x128x128xf32, #tpu.memory_space<vmem_shared>> -> memref<128x128xf32, #tpu.memory_space<vmem_shared>>
      tpu.enqueue_dma source(%dma_start3A_373 : memref<128x128xf32, #tpu.memory_space<vmem_shared>>) target(%dma_start3A_369 : memref<128x128xf32, #tpu.memory_space<hbm>>) target_semaphore(%arg13 : memref<!tpu.dma_semaphore, #tpu.memory_space<semaphore_mem>>)
      %add3A_374 = arith.constant 4 : i32
      %add3A_375 = arith.addi %add3A_316, %add3A_374 : i32
      %mul3A_376 = arith.constant 128 : i32
      %mul3A_377 = arith.muli %add3A_375, %mul3A_376 : i32
      %dma_start3A_378 = arith.constant 1 : i32
      %dma_start3A_379 = arith.constant 0 : i32
      %dma_start3A_380 = arith.constant 0 : i32
      %dma_start3A_381 = tpu.memref_slice %arg6[%dma_start3A_378, %dma_start3A_379, %dma_start3A_380] : memref<4x128x128xf32, #tpu.memory_space<vmem>> -> memref<1x128x128xf32, #tpu.memory_space<vmem>>
      %dma_start3A_382 = tpu.memref_squeeze %dma_start3A_381 : memref<1x128x128xf32, #tpu.memory_space<vmem>> -> memref<128x128xf32, #tpu.memory_space<vmem>>
      %dma_start3A_383 = tpu.memref_slice %arg5[%mul3A_377] : memref<25600xi32, #tpu.memory_space<vmem>> -> memref<128xi32, #tpu.memory_space<vmem>>
      %dma_start3A_384 = arith.constant 0 : i32
      %dma_start3A_385 = arith.constant 0 : i32
      %dma_start3A_386 = tpu.memref_slice %arg3[%dma_start3A_384, %dma_start3A_385] : memref<100000x128xf32, #tpu.memory_space<hbm>> -> memref<100000x128xf32, #tpu.memory_space<hbm>>
      tpu.enqueue_indirect_dma source(%dma_start3A_386 : memref<100000x128xf32, #tpu.memory_space<hbm>>) target(%dma_start3A_382 : memref<128x128xf32, #tpu.memory_space<vmem>>) offsets(%dma_start3A_383 : memref<128xi32, #tpu.memory_space<vmem>>) semaphore(%arg9 : memref<!tpu.dma_semaphore, #tpu.memory_space<semaphore_mem>>)
      %mul3A_387 = arith.constant 128 : i32
      %mul3A_388 = arith.muli %add3A_316, %mul3A_387 : i32
      %add3A_389 = arith.addi %mul3A_2, %mul3A_388 : i32
      %dma_wait3A_390 = arith.constant 0 : i32
      %dma_wait3A_391 = arith.constant 0 : i32
      %dma_wait3A_392 = tpu.memref_slice %arg4[%add3A_389, %dma_wait3A_391] : memref<819200x128xf32, #tpu.memory_space<hbm>> -> memref<128x128xf32, #tpu.memory_space<hbm>>
      %dma_wait3A_393 = arith.constant 0 : i32
      %dma_wait3A_394 = arith.constant 0 : i32
      %dma_wait3A_395 = tpu.memref_slice %arg7[%arg1, %dma_wait3A_390, %dma_wait3A_393, %dma_wait3A_394] : memref<16x2x128x128xf32, #tpu.memory_space<vmem_shared>> -> memref<1x1x128x128xf32, #tpu.memory_space<vmem_shared>>
      %dma_wait3A_396 = tpu.memref_squeeze %dma_wait3A_395 : memref<1x1x128x128xf32, #tpu.memory_space<vmem_shared>> -> memref<128x128xf32, #tpu.memory_space<vmem_shared>>
      tpu.wait_dma2 semaphore(%arg13 : memref<!tpu.dma_semaphore, #tpu.memory_space<semaphore_mem>>) src(%dma_wait3A_396 : memref<128x128xf32, #tpu.memory_space<vmem_shared>>) dst(%dma_wait3A_392 : memref<128x128xf32, #tpu.memory_space<hbm>>)
      %add3A_397 = arith.constant 2 : i32
      %add3A_398 = arith.addi %mul3A_256, %add3A_397 : i32
      %mul3A_399 = arith.constant 128 : i32
      %mul3A_400 = arith.muli %add3A_398, %mul3A_399 : i32
      %dma_wait3A_401 = arith.constant 2 : i32
      %dma_wait3A_402 = arith.constant 0 : i32
      %dma_wait3A_403 = arith.constant 0 : i32
      %dma_wait3A_404 = tpu.memref_slice %arg6[%dma_wait3A_401, %dma_wait3A_402, %dma_wait3A_403] : memref<4x128x128xf32, #tpu.memory_space<vmem>> -> memref<1x128x128xf32, #tpu.memory_space<vmem>>
      %dma_wait3A_405 = tpu.memref_squeeze %dma_wait3A_404 : memref<1x128x128xf32, #tpu.memory_space<vmem>> -> memref<128x128xf32, #tpu.memory_space<vmem>>
      %dma_wait3A_406 = tpu.memref_slice %arg5[%mul3A_400] : memref<25600xi32, #tpu.memory_space<vmem>> -> memref<128xi32, #tpu.memory_space<vmem>>
      %dma_wait3A_407 = arith.constant 0 : i32
      %dma_wait3A_408 = arith.constant 0 : i32
      %dma_wait3A_409 = tpu.memref_slice %arg3[%dma_wait3A_407, %dma_wait3A_408] : memref<100000x128xf32, #tpu.memory_space<hbm>> -> memref<100000x128xf32, #tpu.memory_space<hbm>>
      tpu.wait_indirect_dma semaphore(%arg10 : memref<!tpu.dma_semaphore, #tpu.memory_space<semaphore_mem>>) src(%dma_wait3A_409 : memref<100000x128xf32, #tpu.memory_space<hbm>>) dst(%dma_wait3A_405 : memref<128x128xf32, #tpu.memory_space<vmem>>)
      %mul3A_410 = arith.constant 128 : i32
      %mul3A_411 = arith.muli %add3A_398, %mul3A_410 : i32
      %add3A_412 = arith.addi %mul3A_2, %mul3A_411 : i32
      %dma_start3A_413 = arith.constant 2 : i32
      %dma_start3A_414 = arith.constant 0 : i32
      %dma_start3A_415 = arith.constant 0 : i32
      %dma_start3A_416 = tpu.memref_slice %arg6[%dma_start3A_413, %dma_start3A_414, %dma_start3A_415] : memref<4x128x128xf32, #tpu.memory_space<vmem>> -> memref<1x128x128xf32, #tpu.memory_space<vmem>>
      %dma_start3A_417 = tpu.memref_squeeze %dma_start3A_416 : memref<1x128x128xf32, #tpu.memory_space<vmem>> -> memref<128x128xf32, #tpu.memory_space<vmem>>
      %dma_start3A_418 = arith.constant 0 : i32
      %dma_start3A_419 = tpu.memref_slice %arg4[%add3A_412, %dma_start3A_418] : memref<819200x128xf32, #tpu.memory_space<hbm>> -> memref<128x128xf32, #tpu.memory_space<hbm>>
      %dma_start3A_420 = arith.constant 0 : i32
      %dma_start3A_421 = tpu.memref_slice %arg4[%add3A_412, %dma_start3A_420] : memref<819200x128xf32, #tpu.memory_space<hbm>> -> memref<128x128xf32, #tpu.memory_space<hbm>>
      %dma_start3A_422 = arith.constant 0 : i32
      %dma_start3A_423 = arith.constant 0 : i32
      %dma_start3A_424 = tpu.memref_slice %arg6[%dma_start3A_413, %dma_start3A_422, %dma_start3A_423] : memref<4x128x128xf32, #tpu.memory_space<vmem>> -> memref<1x128x128xf32, #tpu.memory_space<vmem>>
      %dma_start3A_425 = tpu.memref_squeeze %dma_start3A_424 : memref<1x128x128xf32, #tpu.memory_space<vmem>> -> memref<128x128xf32, #tpu.memory_space<vmem>>
      tpu.enqueue_dma source(%dma_start3A_425 : memref<128x128xf32, #tpu.memory_space<vmem>>) target(%dma_start3A_421 : memref<128x128xf32, #tpu.memory_space<hbm>>) target_semaphore(%arg14 : memref<!tpu.dma_semaphore, #tpu.memory_space<semaphore_mem>>)
      %mul3A_426 = arith.constant 128 : i32
      %mul3A_427 = arith.muli %add3A_398, %mul3A_426 : i32
      %add3A_428 = arith.addi %mul3A_2, %mul3A_427 : i32
      %dma_wait3A_429 = arith.constant 2 : i32
      %dma_wait3A_430 = arith.constant 0 : i32
      %dma_wait3A_431 = arith.constant 0 : i32
      %dma_wait3A_432 = tpu.memref_slice %arg6[%dma_wait3A_429, %dma_wait3A_430, %dma_wait3A_431] : memref<4x128x128xf32, #tpu.memory_space<vmem>> -> memref<1x128x128xf32, #tpu.memory_space<vmem>>
      %dma_wait3A_433 = tpu.memref_squeeze %dma_wait3A_432 : memref<1x128x128xf32, #tpu.memory_space<vmem>> -> memref<128x128xf32, #tpu.memory_space<vmem>>
      %dma_wait3A_434 = arith.constant 0 : i32
      %dma_wait3A_435 = tpu.memref_slice %arg4[%add3A_428, %dma_wait3A_434] : memref<819200x128xf32, #tpu.memory_space<hbm>> -> memref<128x128xf32, #tpu.memory_space<hbm>>
      %dma_wait3A_436 = arith.constant 0 : i32
      %dma_wait3A_437 = tpu.memref_slice %arg4[%add3A_428, %dma_wait3A_436] : memref<819200x128xf32, #tpu.memory_space<hbm>> -> memref<128x128xf32, #tpu.memory_space<hbm>>
      %dma_wait3A_438 = arith.constant 0 : i32
      %dma_wait3A_439 = arith.constant 0 : i32
      %dma_wait3A_440 = tpu.memref_slice %arg6[%dma_wait3A_429, %dma_wait3A_438, %dma_wait3A_439] : memref<4x128x128xf32, #tpu.memory_space<vmem>> -> memref<1x128x128xf32, #tpu.memory_space<vmem>>
      %dma_wait3A_441 = tpu.memref_squeeze %dma_wait3A_440 : memref<1x128x128xf32, #tpu.memory_space<vmem>> -> memref<128x128xf32, #tpu.memory_space<vmem>>
      tpu.wait_dma2 semaphore(%arg14 : memref<!tpu.dma_semaphore, #tpu.memory_space<semaphore_mem>>) src(%dma_wait3A_441 : memref<128x128xf32, #tpu.memory_space<vmem>>) dst(%dma_wait3A_437 : memref<128x128xf32, #tpu.memory_space<hbm>>)
      %add3A_442 = arith.constant 4 : i32
      %add3A_443 = arith.addi %add3A_398, %add3A_442 : i32
      %mul3A_444 = arith.constant 128 : i32
      %mul3A_445 = arith.muli %add3A_443, %mul3A_444 : i32
      %dma_start3A_446 = arith.constant 2 : i32
      %dma_start3A_447 = arith.constant 0 : i32
      %dma_start3A_448 = arith.constant 0 : i32
      %dma_start3A_449 = tpu.memref_slice %arg6[%dma_start3A_446, %dma_start3A_447, %dma_start3A_448] : memref<4x128x128xf32, #tpu.memory_space<vmem>> -> memref<1x128x128xf32, #tpu.memory_space<vmem>>
      %dma_start3A_450 = tpu.memref_squeeze %dma_start3A_449 : memref<1x128x128xf32, #tpu.memory_space<vmem>> -> memref<128x128xf32, #tpu.memory_space<vmem>>
      %dma_start3A_451 = tpu.memref_slice %arg5[%mul3A_445] : memref<25600xi32, #tpu.memory_space<vmem>> -> memref<128xi32, #tpu.memory_space<vmem>>
      %dma_start3A_452 = arith.constant 0 : i32
      %dma_start3A_453 = arith.constant 0 : i32
      %dma_start3A_454 = tpu.memref_slice %arg3[%dma_start3A_452, %dma_start3A_453] : memref<100000x128xf32, #tpu.memory_space<hbm>> -> memref<100000x128xf32, #tpu.memory_space<hbm>>
      tpu.enqueue_indirect_dma source(%dma_start3A_454 : memref<100000x128xf32, #tpu.memory_space<hbm>>) target(%dma_start3A_450 : memref<128x128xf32, #tpu.memory_space<vmem>>) offsets(%dma_start3A_451 : memref<128xi32, #tpu.memory_space<vmem>>) semaphore(%arg10 : memref<!tpu.dma_semaphore, #tpu.memory_space<semaphore_mem>>)
      %add3A_455 = arith.constant 3 : i32
      %add3A_456 = arith.addi %mul3A_256, %add3A_455 : i32
      %mul3A_457 = arith.constant 128 : i32
      %mul3A_458 = arith.muli %add3A_456, %mul3A_457 : i32
      %dma_wait3A_459 = arith.constant 3 : i32
      %dma_wait3A_460 = arith.constant 0 : i32
      %dma_wait3A_461 = arith.constant 0 : i32
      %dma_wait3A_462 = tpu.memref_slice %arg6[%dma_wait3A_459, %dma_wait3A_460, %dma_wait3A_461] : memref<4x128x128xf32, #tpu.memory_space<vmem>> -> memref<1x128x128xf32, #tpu.memory_space<vmem>>
      %dma_wait3A_463 = tpu.memref_squeeze %dma_wait3A_462 : memref<1x128x128xf32, #tpu.memory_space<vmem>> -> memref<128x128xf32, #tpu.memory_space<vmem>>
      %dma_wait3A_464 = tpu.memref_slice %arg5[%mul3A_458] : memref<25600xi32, #tpu.memory_space<vmem>> -> memref<128xi32, #tpu.memory_space<vmem>>
      %dma_wait3A_465 = arith.constant 0 : i32
      %dma_wait3A_466 = arith.constant 0 : i32
      %dma_wait3A_467 = tpu.memref_slice %arg3[%dma_wait3A_465, %dma_wait3A_466] : memref<100000x128xf32, #tpu.memory_space<hbm>> -> memref<100000x128xf32, #tpu.memory_space<hbm>>
      tpu.wait_indirect_dma semaphore(%arg11 : memref<!tpu.dma_semaphore, #tpu.memory_space<semaphore_mem>>) src(%dma_wait3A_467 : memref<100000x128xf32, #tpu.memory_space<hbm>>) dst(%dma_wait3A_463 : memref<128x128xf32, #tpu.memory_space<vmem>>)
      %dma_start3A_468 = arith.constant 3 : i32
      %dma_start3A_469 = arith.constant 1 : i32
      %dma_start3A_470 = arith.constant 0 : i32
      %dma_start3A_471 = arith.constant 0 : i32
      %dma_start3A_472 = tpu.memref_slice %arg6[%dma_start3A_468, %dma_start3A_470, %dma_start3A_471] : memref<4x128x128xf32, #tpu.memory_space<vmem>> -> memref<1x128x128xf32, #tpu.memory_space<vmem>>
      %dma_start3A_473 = tpu.memref_squeeze %dma_start3A_472 : memref<1x128x128xf32, #tpu.memory_space<vmem>> -> memref<128x128xf32, #tpu.memory_space<vmem>>
      %dma_start3A_474 = arith.constant 0 : i32
      %dma_start3A_475 = arith.constant 0 : i32
      %dma_start3A_476 = tpu.memref_slice %arg7[%arg1, %dma_start3A_469, %dma_start3A_474, %dma_start3A_475] : memref<16x2x128x128xf32, #tpu.memory_space<vmem_shared>> -> memref<1x1x128x128xf32, #tpu.memory_space<vmem_shared>>
      %dma_start3A_477 = tpu.memref_squeeze %dma_start3A_476 : memref<1x1x128x128xf32, #tpu.memory_space<vmem_shared>> -> memref<128x128xf32, #tpu.memory_space<vmem_shared>>
      %dma_start3A_478 = arith.constant 0 : i32
      %dma_start3A_479 = arith.constant 0 : i32
      %dma_start3A_480 = tpu.memref_slice %arg7[%arg1, %dma_start3A_469, %dma_start3A_478, %dma_start3A_479] : memref<16x2x128x128xf32, #tpu.memory_space<vmem_shared>> -> memref<1x1x128x128xf32, #tpu.memory_space<vmem_shared>>
      %dma_start3A_481 = tpu.memref_squeeze %dma_start3A_480 : memref<1x1x128x128xf32, #tpu.memory_space<vmem_shared>> -> memref<128x128xf32, #tpu.memory_space<vmem_shared>>
      %dma_start3A_482 = arith.constant 0 : i32
      %dma_start3A_483 = arith.constant 0 : i32
      %dma_start3A_484 = tpu.memref_slice %arg6[%dma_start3A_468, %dma_start3A_482, %dma_start3A_483] : memref<4x128x128xf32, #tpu.memory_space<vmem>> -> memref<1x128x128xf32, #tpu.memory_space<vmem>>
      %dma_start3A_485 = tpu.memref_squeeze %dma_start3A_484 : memref<1x128x128xf32, #tpu.memory_space<vmem>> -> memref<128x128xf32, #tpu.memory_space<vmem>>
      tpu.enqueue_dma source(%dma_start3A_485 : memref<128x128xf32, #tpu.memory_space<vmem>>) target(%dma_start3A_481 : memref<128x128xf32, #tpu.memory_space<vmem_shared>>) target_semaphore(%arg19 : memref<!tpu.dma_semaphore, #tpu.memory_space<semaphore_mem>>)
      %dma_wait3A_486 = arith.constant 3 : i32
      %dma_wait3A_487 = arith.constant 1 : i32
      %dma_wait3A_488 = arith.constant 0 : i32
      %dma_wait3A_489 = arith.constant 0 : i32
      %dma_wait3A_490 = tpu.memref_slice %arg6[%dma_wait3A_486, %dma_wait3A_488, %dma_wait3A_489] : memref<4x128x128xf32, #tpu.memory_space<vmem>> -> memref<1x128x128xf32, #tpu.memory_space<vmem>>
      %dma_wait3A_491 = tpu.memref_squeeze %dma_wait3A_490 : memref<1x128x128xf32, #tpu.memory_space<vmem>> -> memref<128x128xf32, #tpu.memory_space<vmem>>
      %dma_wait3A_492 = arith.constant 0 : i32
      %dma_wait3A_493 = arith.constant 0 : i32
      %dma_wait3A_494 = tpu.memref_slice %arg7[%arg1, %dma_wait3A_487, %dma_wait3A_492, %dma_wait3A_493] : memref<16x2x128x128xf32, #tpu.memory_space<vmem_shared>> -> memref<1x1x128x128xf32, #tpu.memory_space<vmem_shared>>
      %dma_wait3A_495 = tpu.memref_squeeze %dma_wait3A_494 : memref<1x1x128x128xf32, #tpu.memory_space<vmem_shared>> -> memref<128x128xf32, #tpu.memory_space<vmem_shared>>
      %dma_wait3A_496 = arith.constant 0 : i32
      %dma_wait3A_497 = arith.constant 0 : i32
      %dma_wait3A_498 = tpu.memref_slice %arg7[%arg1, %dma_wait3A_487, %dma_wait3A_496, %dma_wait3A_497] : memref<16x2x128x128xf32, #tpu.memory_space<vmem_shared>> -> memref<1x1x128x128xf32, #tpu.memory_space<vmem_shared>>
      %dma_wait3A_499 = tpu.memref_squeeze %dma_wait3A_498 : memref<1x1x128x128xf32, #tpu.memory_space<vmem_shared>> -> memref<128x128xf32, #tpu.memory_space<vmem_shared>>
      %dma_wait3A_500 = arith.constant 0 : i32
      %dma_wait3A_501 = arith.constant 0 : i32
      %dma_wait3A_502 = tpu.memref_slice %arg6[%dma_wait3A_486, %dma_wait3A_500, %dma_wait3A_501] : memref<4x128x128xf32, #tpu.memory_space<vmem>> -> memref<1x128x128xf32, #tpu.memory_space<vmem>>
      %dma_wait3A_503 = tpu.memref_squeeze %dma_wait3A_502 : memref<1x128x128xf32, #tpu.memory_space<vmem>> -> memref<128x128xf32, #tpu.memory_space<vmem>>
      tpu.wait_dma2 semaphore(%arg19 : memref<!tpu.dma_semaphore, #tpu.memory_space<semaphore_mem>>) src(%dma_wait3A_503 : memref<128x128xf32, #tpu.memory_space<vmem>>) dst(%dma_wait3A_499 : memref<128x128xf32, #tpu.memory_space<vmem_shared>>)
      %mul3A_504 = arith.constant 128 : i32
      %mul3A_505 = arith.muli %add3A_456, %mul3A_504 : i32
      %add3A_506 = arith.addi %mul3A_2, %mul3A_505 : i32
      %dma_start3A_507 = arith.constant 1 : i32
      %dma_start3A_508 = arith.constant 0 : i32
      %dma_start3A_509 = tpu.memref_slice %arg4[%add3A_506, %dma_start3A_508] : memref<819200x128xf32, #tpu.memory_space<hbm>> -> memref<128x128xf32, #tpu.memory_space<hbm>>
      %dma_start3A_510 = arith.constant 0 : i32
      %dma_start3A_511 = arith.constant 0 : i32
      %dma_start3A_512 = tpu.memref_slice %arg7[%arg1, %dma_start3A_507, %dma_start3A_510, %dma_start3A_511] : memref<16x2x128x128xf32, #tpu.memory_space<vmem_shared>> -> memref<1x1x128x128xf32, #tpu.memory_space<vmem_shared>>
      %dma_start3A_513 = tpu.memref_squeeze %dma_start3A_512 : memref<1x1x128x128xf32, #tpu.memory_space<vmem_shared>> -> memref<128x128xf32, #tpu.memory_space<vmem_shared>>
      tpu.enqueue_dma source(%dma_start3A_513 : memref<128x128xf32, #tpu.memory_space<vmem_shared>>) target(%dma_start3A_509 : memref<128x128xf32, #tpu.memory_space<hbm>>) target_semaphore(%arg15 : memref<!tpu.dma_semaphore, #tpu.memory_space<semaphore_mem>>)
      %add3A_514 = arith.constant 4 : i32
      %add3A_515 = arith.addi %add3A_456, %add3A_514 : i32
      %mul3A_516 = arith.constant 128 : i32
      %mul3A_517 = arith.muli %add3A_515, %mul3A_516 : i32
      %dma_start3A_518 = arith.constant 3 : i32
      %dma_start3A_519 = arith.constant 0 : i32
      %dma_start3A_520 = arith.constant 0 : i32
      %dma_start3A_521 = tpu.memref_slice %arg6[%dma_start3A_518, %dma_start3A_519, %dma_start3A_520] : memref<4x128x128xf32, #tpu.memory_space<vmem>> -> memref<1x128x128xf32, #tpu.memory_space<vmem>>
      %dma_start3A_522 = tpu.memref_squeeze %dma_start3A_521 : memref<1x128x128xf32, #tpu.memory_space<vmem>> -> memref<128x128xf32, #tpu.memory_space<vmem>>
      %dma_start3A_523 = tpu.memref_slice %arg5[%mul3A_517] : memref<25600xi32, #tpu.memory_space<vmem>> -> memref<128xi32, #tpu.memory_space<vmem>>
      %dma_start3A_524 = arith.constant 0 : i32
      %dma_start3A_525 = arith.constant 0 : i32
      %dma_start3A_526 = tpu.memref_slice %arg3[%dma_start3A_524, %dma_start3A_525] : memref<100000x128xf32, #tpu.memory_space<hbm>> -> memref<100000x128xf32, #tpu.memory_space<hbm>>
      tpu.enqueue_indirect_dma source(%dma_start3A_526 : memref<100000x128xf32, #tpu.memory_space<hbm>>) target(%dma_start3A_522 : memref<128x128xf32, #tpu.memory_space<vmem>>) offsets(%dma_start3A_523 : memref<128xi32, #tpu.memory_space<vmem>>) semaphore(%arg11 : memref<!tpu.dma_semaphore, #tpu.memory_space<semaphore_mem>>)
      %mul3A_527 = arith.constant 128 : i32
      %mul3A_528 = arith.muli %add3A_456, %mul3A_527 : i32
      %add3A_529 = arith.addi %mul3A_2, %mul3A_528 : i32
      %dma_wait3A_530 = arith.constant 1 : i32
      %dma_wait3A_531 = arith.constant 0 : i32
      %dma_wait3A_532 = tpu.memref_slice %arg4[%add3A_529, %dma_wait3A_531] : memref<819200x128xf32, #tpu.memory_space<hbm>> -> memref<128x128xf32, #tpu.memory_space<hbm>>
      %dma_wait3A_533 = arith.constant 0 : i32
      %dma_wait3A_534 = arith.constant 0 : i32
      %dma_wait3A_535 = tpu.memref_slice %arg7[%arg1, %dma_wait3A_530, %dma_wait3A_533, %dma_wait3A_534] : memref<16x2x128x128xf32, #tpu.memory_space<vmem_shared>> -> memref<1x1x128x128xf32, #tpu.memory_space<vmem_shared>>
      %dma_wait3A_536 = tpu.memref_squeeze %dma_wait3A_535 : memref<1x1x128x128xf32, #tpu.memory_space<vmem_shared>> -> memref<128x128xf32, #tpu.memory_space<vmem_shared>>
      tpu.wait_dma2 semaphore(%arg15 : memref<!tpu.dma_semaphore, #tpu.memory_space<semaphore_mem>>) src(%dma_wait3A_536 : memref<128x128xf32, #tpu.memory_space<vmem_shared>>) dst(%dma_wait3A_532 : memref<128x128xf32, #tpu.memory_space<hbm>>)
    }
    %scan3A_46 = arith.constant 49 : i32
    %dma_wait3A = arith.constant 0 : i32
    %dma_wait3A_47 = arith.constant 0 : i32
    %dma_wait3A_48 = arith.constant 0 : i32
    %dma_wait3A_49 = tpu.memref_slice %arg6[%dma_wait3A, %dma_wait3A_47, %dma_wait3A_48] : memref<4x128x128xf32, #tpu.memory_space<vmem>> -> memref<1x128x128xf32, #tpu.memory_space<vmem>>
    %dma_wait3A_50 = tpu.memref_squeeze %dma_wait3A_49 : memref<1x128x128xf32, #tpu.memory_space<vmem>> -> memref<128x128xf32, #tpu.memory_space<vmem>>
    %dma_wait3A_51 = arith.constant 25088 : i32
    %dma_wait3A_52 = tpu.memref_slice %arg5[%dma_wait3A_51] : memref<25600xi32, #tpu.memory_space<vmem>> -> memref<128xi32, #tpu.memory_space<vmem>>
    %dma_wait3A_53 = arith.constant 0 : i32
    %dma_wait3A_54 = arith.constant 0 : i32
    %dma_wait3A_55 = tpu.memref_slice %arg3[%dma_wait3A_53, %dma_wait3A_54] : memref<100000x128xf32, #tpu.memory_space<hbm>> -> memref<100000x128xf32, #tpu.memory_space<hbm>>
    tpu.wait_indirect_dma semaphore(%arg8 : memref<!tpu.dma_semaphore, #tpu.memory_space<semaphore_mem>>) src(%dma_wait3A_55 : memref<100000x128xf32, #tpu.memory_space<hbm>>) dst(%dma_wait3A_50 : memref<128x128xf32, #tpu.memory_space<vmem>>)
    %add3A_56 = arith.constant 25088 : i32
    %add3A_57 = arith.addi %mul3A_2, %add3A_56 : i32
    %dma_start3A_58 = arith.constant 0 : i32
    %dma_start3A_59 = arith.constant 0 : i32
    %dma_start3A_60 = arith.constant 0 : i32
    %dma_start3A_61 = tpu.memref_slice %arg6[%dma_start3A_58, %dma_start3A_59, %dma_start3A_60] : memref<4x128x128xf32, #tpu.memory_space<vmem>> -> memref<1x128x128xf32, #tpu.memory_space<vmem>>
    %dma_start3A_62 = tpu.memref_squeeze %dma_start3A_61 : memref<1x128x128xf32, #tpu.memory_space<vmem>> -> memref<128x128xf32, #tpu.memory_space<vmem>>
    %dma_start3A_63 = arith.constant 0 : i32
    %dma_start3A_64 = tpu.memref_slice %arg4[%add3A_57, %dma_start3A_63] : memref<819200x128xf32, #tpu.memory_space<hbm>> -> memref<128x128xf32, #tpu.memory_space<hbm>>
    %dma_start3A_65 = arith.constant 0 : i32
    %dma_start3A_66 = tpu.memref_slice %arg4[%add3A_57, %dma_start3A_65] : memref<819200x128xf32, #tpu.memory_space<hbm>> -> memref<128x128xf32, #tpu.memory_space<hbm>>
    %dma_start3A_67 = arith.constant 0 : i32
    %dma_start3A_68 = arith.constant 0 : i32
    %dma_start3A_69 = tpu.memref_slice %arg6[%dma_start3A_58, %dma_start3A_67, %dma_start3A_68] : memref<4x128x128xf32, #tpu.memory_space<vmem>> -> memref<1x128x128xf32, #tpu.memory_space<vmem>>
    %dma_start3A_70 = tpu.memref_squeeze %dma_start3A_69 : memref<1x128x128xf32, #tpu.memory_space<vmem>> -> memref<128x128xf32, #tpu.memory_space<vmem>>
    tpu.enqueue_dma source(%dma_start3A_70 : memref<128x128xf32, #tpu.memory_space<vmem>>) target(%dma_start3A_66 : memref<128x128xf32, #tpu.memory_space<hbm>>) target_semaphore(%arg12 : memref<!tpu.dma_semaphore, #tpu.memory_space<semaphore_mem>>)
    %add3A_71 = arith.constant 25088 : i32
    %add3A_72 = arith.addi %mul3A_2, %add3A_71 : i32
    %dma_wait3A_73 = arith.constant 0 : i32
    %dma_wait3A_74 = arith.constant 0 : i32
    %dma_wait3A_75 = arith.constant 0 : i32
    %dma_wait3A_76 = tpu.memref_slice %arg6[%dma_wait3A_73, %dma_wait3A_74, %dma_wait3A_75] : memref<4x128x128xf32, #tpu.memory_space<vmem>> -> memref<1x128x128xf32, #tpu.memory_space<vmem>>
    %dma_wait3A_77 = tpu.memref_squeeze %dma_wait3A_76 : memref<1x128x128xf32, #tpu.memory_space<vmem>> -> memref<128x128xf32, #tpu.memory_space<vmem>>
    %dma_wait3A_78 = arith.constant 0 : i32
    %dma_wait3A_79 = tpu.memref_slice %arg4[%add3A_72, %dma_wait3A_78] : memref<819200x128xf32, #tpu.memory_space<hbm>> -> memref<128x128xf32, #tpu.memory_space<hbm>>
    %dma_wait3A_80 = arith.constant 0 : i32
    %dma_wait3A_81 = tpu.memref_slice %arg4[%add3A_72, %dma_wait3A_80] : memref<819200x128xf32, #tpu.memory_space<hbm>> -> memref<128x128xf32, #tpu.memory_space<hbm>>
    %dma_wait3A_82 = arith.constant 0 : i32
    %dma_wait3A_83 = arith.constant 0 : i32
    %dma_wait3A_84 = tpu.memref_slice %arg6[%dma_wait3A_73, %dma_wait3A_82, %dma_wait3A_83] : memref<4x128x128xf32, #tpu.memory_space<vmem>> -> memref<1x128x128xf32, #tpu.memory_space<vmem>>
    %dma_wait3A_85 = tpu.memref_squeeze %dma_wait3A_84 : memref<1x128x128xf32, #tpu.memory_space<vmem>> -> memref<128x128xf32, #tpu.memory_space<vmem>>
    tpu.wait_dma2 semaphore(%arg12 : memref<!tpu.dma_semaphore, #tpu.memory_space<semaphore_mem>>) src(%dma_wait3A_85 : memref<128x128xf32, #tpu.memory_space<vmem>>) dst(%dma_wait3A_81 : memref<128x128xf32, #tpu.memory_space<hbm>>)
    %dma_wait3A_86 = arith.constant 1 : i32
    %dma_wait3A_87 = arith.constant 0 : i32
    %dma_wait3A_88 = arith.constant 0 : i32
    %dma_wait3A_89 = tpu.memref_slice %arg6[%dma_wait3A_86, %dma_wait3A_87, %dma_wait3A_88] : memref<4x128x128xf32, #tpu.memory_space<vmem>> -> memref<1x128x128xf32, #tpu.memory_space<vmem>>
    %dma_wait3A_90 = tpu.memref_squeeze %dma_wait3A_89 : memref<1x128x128xf32, #tpu.memory_space<vmem>> -> memref<128x128xf32, #tpu.memory_space<vmem>>
    %dma_wait3A_91 = arith.constant 25216 : i32
    %dma_wait3A_92 = tpu.memref_slice %arg5[%dma_wait3A_91] : memref<25600xi32, #tpu.memory_space<vmem>> -> memref<128xi32, #tpu.memory_space<vmem>>
    %dma_wait3A_93 = arith.constant 0 : i32
    %dma_wait3A_94 = arith.constant 0 : i32
    %dma_wait3A_95 = tpu.memref_slice %arg3[%dma_wait3A_93, %dma_wait3A_94] : memref<100000x128xf32, #tpu.memory_space<hbm>> -> memref<100000x128xf32, #tpu.memory_space<hbm>>
    tpu.wait_indirect_dma semaphore(%arg9 : memref<!tpu.dma_semaphore, #tpu.memory_space<semaphore_mem>>) src(%dma_wait3A_95 : memref<100000x128xf32, #tpu.memory_space<hbm>>) dst(%dma_wait3A_90 : memref<128x128xf32, #tpu.memory_space<vmem>>)
    %dma_start3A_96 = arith.constant 1 : i32
    %dma_start3A_97 = arith.constant 0 : i32
    %dma_start3A_98 = arith.constant 0 : i32
    %dma_start3A_99 = arith.constant 0 : i32
    %dma_start3A_100 = tpu.memref_slice %arg6[%dma_start3A_96, %dma_start3A_98, %dma_start3A_99] : memref<4x128x128xf32, #tpu.memory_space<vmem>> -> memref<1x128x128xf32, #tpu.memory_space<vmem>>
    %dma_start3A_101 = tpu.memref_squeeze %dma_start3A_100 : memref<1x128x128xf32, #tpu.memory_space<vmem>> -> memref<128x128xf32, #tpu.memory_space<vmem>>
    %dma_start3A_102 = arith.constant 0 : i32
    %dma_start3A_103 = arith.constant 0 : i32
    %dma_start3A_104 = tpu.memref_slice %arg7[%arg1, %dma_start3A_97, %dma_start3A_102, %dma_start3A_103] : memref<16x2x128x128xf32, #tpu.memory_space<vmem_shared>> -> memref<1x1x128x128xf32, #tpu.memory_space<vmem_shared>>
    %dma_start3A_105 = tpu.memref_squeeze %dma_start3A_104 : memref<1x1x128x128xf32, #tpu.memory_space<vmem_shared>> -> memref<128x128xf32, #tpu.memory_space<vmem_shared>>
    %dma_start3A_106 = arith.constant 0 : i32
    %dma_start3A_107 = arith.constant 0 : i32
    %dma_start3A_108 = tpu.memref_slice %arg7[%arg1, %dma_start3A_97, %dma_start3A_106, %dma_start3A_107] : memref<16x2x128x128xf32, #tpu.memory_space<vmem_shared>> -> memref<1x1x128x128xf32, #tpu.memory_space<vmem_shared>>
    %dma_start3A_109 = tpu.memref_squeeze %dma_start3A_108 : memref<1x1x128x128xf32, #tpu.memory_space<vmem_shared>> -> memref<128x128xf32, #tpu.memory_space<vmem_shared>>
    %dma_start3A_110 = arith.constant 0 : i32
    %dma_start3A_111 = arith.constant 0 : i32
    %dma_start3A_112 = tpu.memref_slice %arg6[%dma_start3A_96, %dma_start3A_110, %dma_start3A_111] : memref<4x128x128xf32, #tpu.memory_space<vmem>> -> memref<1x128x128xf32, #tpu.memory_space<vmem>>
    %dma_start3A_113 = tpu.memref_squeeze %dma_start3A_112 : memref<1x128x128xf32, #tpu.memory_space<vmem>> -> memref<128x128xf32, #tpu.memory_space<vmem>>
    tpu.enqueue_dma source(%dma_start3A_113 : memref<128x128xf32, #tpu.memory_space<vmem>>) target(%dma_start3A_109 : memref<128x128xf32, #tpu.memory_space<vmem_shared>>) target_semaphore(%arg17 : memref<!tpu.dma_semaphore, #tpu.memory_space<semaphore_mem>>)
    %dma_wait3A_114 = arith.constant 1 : i32
    %dma_wait3A_115 = arith.constant 0 : i32
    %dma_wait3A_116 = arith.constant 0 : i32
    %dma_wait3A_117 = arith.constant 0 : i32
    %dma_wait3A_118 = tpu.memref_slice %arg6[%dma_wait3A_114, %dma_wait3A_116, %dma_wait3A_117] : memref<4x128x128xf32, #tpu.memory_space<vmem>> -> memref<1x128x128xf32, #tpu.memory_space<vmem>>
    %dma_wait3A_119 = tpu.memref_squeeze %dma_wait3A_118 : memref<1x128x128xf32, #tpu.memory_space<vmem>> -> memref<128x128xf32, #tpu.memory_space<vmem>>
    %dma_wait3A_120 = arith.constant 0 : i32
    %dma_wait3A_121 = arith.constant 0 : i32
    %dma_wait3A_122 = tpu.memref_slice %arg7[%arg1, %dma_wait3A_115, %dma_wait3A_120, %dma_wait3A_121] : memref<16x2x128x128xf32, #tpu.memory_space<vmem_shared>> -> memref<1x1x128x128xf32, #tpu.memory_space<vmem_shared>>
    %dma_wait3A_123 = tpu.memref_squeeze %dma_wait3A_122 : memref<1x1x128x128xf32, #tpu.memory_space<vmem_shared>> -> memref<128x128xf32, #tpu.memory_space<vmem_shared>>
    %dma_wait3A_124 = arith.constant 0 : i32
    %dma_wait3A_125 = arith.constant 0 : i32
    %dma_wait3A_126 = tpu.memref_slice %arg7[%arg1, %dma_wait3A_115, %dma_wait3A_124, %dma_wait3A_125] : memref<16x2x128x128xf32, #tpu.memory_space<vmem_shared>> -> memref<1x1x128x128xf32, #tpu.memory_space<vmem_shared>>
    %dma_wait3A_127 = tpu.memref_squeeze %dma_wait3A_126 : memref<1x1x128x128xf32, #tpu.memory_space<vmem_shared>> -> memref<128x128xf32, #tpu.memory_space<vmem_shared>>
    %dma_wait3A_128 = arith.constant 0 : i32
    %dma_wait3A_129 = arith.constant 0 : i32
    %dma_wait3A_130 = tpu.memref_slice %arg6[%dma_wait3A_114, %dma_wait3A_128, %dma_wait3A_129] : memref<4x128x128xf32, #tpu.memory_space<vmem>> -> memref<1x128x128xf32, #tpu.memory_space<vmem>>
    %dma_wait3A_131 = tpu.memref_squeeze %dma_wait3A_130 : memref<1x128x128xf32, #tpu.memory_space<vmem>> -> memref<128x128xf32, #tpu.memory_space<vmem>>
    tpu.wait_dma2 semaphore(%arg17 : memref<!tpu.dma_semaphore, #tpu.memory_space<semaphore_mem>>) src(%dma_wait3A_131 : memref<128x128xf32, #tpu.memory_space<vmem>>) dst(%dma_wait3A_127 : memref<128x128xf32, #tpu.memory_space<vmem_shared>>)
    %add3A_132 = arith.constant 25216 : i32
    %add3A_133 = arith.addi %mul3A_2, %add3A_132 : i32
    %dma_start3A_134 = arith.constant 0 : i32
    %dma_start3A_135 = arith.constant 0 : i32
    %dma_start3A_136 = tpu.memref_slice %arg4[%add3A_133, %dma_start3A_135] : memref<819200x128xf32, #tpu.memory_space<hbm>> -> memref<128x128xf32, #tpu.memory_space<hbm>>
    %dma_start3A_137 = arith.constant 0 : i32
    %dma_start3A_138 = arith.constant 0 : i32
    %dma_start3A_139 = tpu.memref_slice %arg7[%arg1, %dma_start3A_134, %dma_start3A_137, %dma_start3A_138] : memref<16x2x128x128xf32, #tpu.memory_space<vmem_shared>> -> memref<1x1x128x128xf32, #tpu.memory_space<vmem_shared>>
    %dma_start3A_140 = tpu.memref_squeeze %dma_start3A_139 : memref<1x1x128x128xf32, #tpu.memory_space<vmem_shared>> -> memref<128x128xf32, #tpu.memory_space<vmem_shared>>
    tpu.enqueue_dma source(%dma_start3A_140 : memref<128x128xf32, #tpu.memory_space<vmem_shared>>) target(%dma_start3A_136 : memref<128x128xf32, #tpu.memory_space<hbm>>) target_semaphore(%arg13 : memref<!tpu.dma_semaphore, #tpu.memory_space<semaphore_mem>>)
    %add3A_141 = arith.constant 25216 : i32
    %add3A_142 = arith.addi %mul3A_2, %add3A_141 : i32
    %dma_wait3A_143 = arith.constant 0 : i32
    %dma_wait3A_144 = arith.constant 0 : i32
    %dma_wait3A_145 = tpu.memref_slice %arg4[%add3A_142, %dma_wait3A_144] : memref<819200x128xf32, #tpu.memory_space<hbm>> -> memref<128x128xf32, #tpu.memory_space<hbm>>
    %dma_wait3A_146 = arith.constant 0 : i32
    %dma_wait3A_147 = arith.constant 0 : i32
    %dma_wait3A_148 = tpu.memref_slice %arg7[%arg1, %dma_wait3A_143, %dma_wait3A_146, %dma_wait3A_147] : memref<16x2x128x128xf32, #tpu.memory_space<vmem_shared>> -> memref<1x1x128x128xf32, #tpu.memory_space<vmem_shared>>
    %dma_wait3A_149 = tpu.memref_squeeze %dma_wait3A_148 : memref<1x1x128x128xf32, #tpu.memory_space<vmem_shared>> -> memref<128x128xf32, #tpu.memory_space<vmem_shared>>
    tpu.wait_dma2 semaphore(%arg13 : memref<!tpu.dma_semaphore, #tpu.memory_space<semaphore_mem>>) src(%dma_wait3A_149 : memref<128x128xf32, #tpu.memory_space<vmem_shared>>) dst(%dma_wait3A_145 : memref<128x128xf32, #tpu.memory_space<hbm>>)
    %dma_wait3A_150 = arith.constant 2 : i32
    %dma_wait3A_151 = arith.constant 0 : i32
    %dma_wait3A_152 = arith.constant 0 : i32
    %dma_wait3A_153 = tpu.memref_slice %arg6[%dma_wait3A_150, %dma_wait3A_151, %dma_wait3A_152] : memref<4x128x128xf32, #tpu.memory_space<vmem>> -> memref<1x128x128xf32, #tpu.memory_space<vmem>>
    %dma_wait3A_154 = tpu.memref_squeeze %dma_wait3A_153 : memref<1x128x128xf32, #tpu.memory_space<vmem>> -> memref<128x128xf32, #tpu.memory_space<vmem>>
    %dma_wait3A_155 = arith.constant 25344 : i32
    %dma_wait3A_156 = tpu.memref_slice %arg5[%dma_wait3A_155] : memref<25600xi32, #tpu.memory_space<vmem>> -> memref<128xi32, #tpu.memory_space<vmem>>
    %dma_wait3A_157 = arith.constant 0 : i32
    %dma_wait3A_158 = arith.constant 0 : i32
    %dma_wait3A_159 = tpu.memref_slice %arg3[%dma_wait3A_157, %dma_wait3A_158] : memref<100000x128xf32, #tpu.memory_space<hbm>> -> memref<100000x128xf32, #tpu.memory_space<hbm>>
    tpu.wait_indirect_dma semaphore(%arg10 : memref<!tpu.dma_semaphore, #tpu.memory_space<semaphore_mem>>) src(%dma_wait3A_159 : memref<100000x128xf32, #tpu.memory_space<hbm>>) dst(%dma_wait3A_154 : memref<128x128xf32, #tpu.memory_space<vmem>>)
    %add3A_160 = arith.constant 25344 : i32
    %add3A_161 = arith.addi %mul3A_2, %add3A_160 : i32
    %dma_start3A_162 = arith.constant 2 : i32
    %dma_start3A_163 = arith.constant 0 : i32
    %dma_start3A_164 = arith.constant 0 : i32
    %dma_start3A_165 = tpu.memref_slice %arg6[%dma_start3A_162, %dma_start3A_163, %dma_start3A_164] : memref<4x128x128xf32, #tpu.memory_space<vmem>> -> memref<1x128x128xf32, #tpu.memory_space<vmem>>
    %dma_start3A_166 = tpu.memref_squeeze %dma_start3A_165 : memref<1x128x128xf32, #tpu.memory_space<vmem>> -> memref<128x128xf32, #tpu.memory_space<vmem>>
    %dma_start3A_167 = arith.constant 0 : i32
    %dma_start3A_168 = tpu.memref_slice %arg4[%add3A_161, %dma_start3A_167] : memref<819200x128xf32, #tpu.memory_space<hbm>> -> memref<128x128xf32, #tpu.memory_space<hbm>>
    %dma_start3A_169 = arith.constant 0 : i32
    %dma_start3A_170 = tpu.memref_slice %arg4[%add3A_161, %dma_start3A_169] : memref<819200x128xf32, #tpu.memory_space<hbm>> -> memref<128x128xf32, #tpu.memory_space<hbm>>
    %dma_start3A_171 = arith.constant 0 : i32
    %dma_start3A_172 = arith.constant 0 : i32
    %dma_start3A_173 = tpu.memref_slice %arg6[%dma_start3A_162, %dma_start3A_171, %dma_start3A_172] : memref<4x128x128xf32, #tpu.memory_space<vmem>> -> memref<1x128x128xf32, #tpu.memory_space<vmem>>
    %dma_start3A_174 = tpu.memref_squeeze %dma_start3A_173 : memref<1x128x128xf32, #tpu.memory_space<vmem>> -> memref<128x128xf32, #tpu.memory_space<vmem>>
    tpu.enqueue_dma source(%dma_start3A_174 : memref<128x128xf32, #tpu.memory_space<vmem>>) target(%dma_start3A_170 : memref<128x128xf32, #tpu.memory_space<hbm>>) target_semaphore(%arg14 : memref<!tpu.dma_semaphore, #tpu.memory_space<semaphore_mem>>)
    %add3A_175 = arith.constant 25344 : i32
    %add3A_176 = arith.addi %mul3A_2, %add3A_175 : i32
    %dma_wait3A_177 = arith.constant 2 : i32
    %dma_wait3A_178 = arith.constant 0 : i32
    %dma_wait3A_179 = arith.constant 0 : i32
    %dma_wait3A_180 = tpu.memref_slice %arg6[%dma_wait3A_177, %dma_wait3A_178, %dma_wait3A_179] : memref<4x128x128xf32, #tpu.memory_space<vmem>> -> memref<1x128x128xf32, #tpu.memory_space<vmem>>
    %dma_wait3A_181 = tpu.memref_squeeze %dma_wait3A_180 : memref<1x128x128xf32, #tpu.memory_space<vmem>> -> memref<128x128xf32, #tpu.memory_space<vmem>>
    %dma_wait3A_182 = arith.constant 0 : i32
    %dma_wait3A_183 = tpu.memref_slice %arg4[%add3A_176, %dma_wait3A_182] : memref<819200x128xf32, #tpu.memory_space<hbm>> -> memref<128x128xf32, #tpu.memory_space<hbm>>
    %dma_wait3A_184 = arith.constant 0 : i32
    %dma_wait3A_185 = tpu.memref_slice %arg4[%add3A_176, %dma_wait3A_184] : memref<819200x128xf32, #tpu.memory_space<hbm>> -> memref<128x128xf32, #tpu.memory_space<hbm>>
    %dma_wait3A_186 = arith.constant 0 : i32
    %dma_wait3A_187 = arith.constant 0 : i32
    %dma_wait3A_188 = tpu.memref_slice %arg6[%dma_wait3A_177, %dma_wait3A_186, %dma_wait3A_187] : memref<4x128x128xf32, #tpu.memory_space<vmem>> -> memref<1x128x128xf32, #tpu.memory_space<vmem>>
    %dma_wait3A_189 = tpu.memref_squeeze %dma_wait3A_188 : memref<1x128x128xf32, #tpu.memory_space<vmem>> -> memref<128x128xf32, #tpu.memory_space<vmem>>
    tpu.wait_dma2 semaphore(%arg14 : memref<!tpu.dma_semaphore, #tpu.memory_space<semaphore_mem>>) src(%dma_wait3A_189 : memref<128x128xf32, #tpu.memory_space<vmem>>) dst(%dma_wait3A_185 : memref<128x128xf32, #tpu.memory_space<hbm>>)
    %dma_wait3A_190 = arith.constant 3 : i32
    %dma_wait3A_191 = arith.constant 0 : i32
    %dma_wait3A_192 = arith.constant 0 : i32
    %dma_wait3A_193 = tpu.memref_slice %arg6[%dma_wait3A_190, %dma_wait3A_191, %dma_wait3A_192] : memref<4x128x128xf32, #tpu.memory_space<vmem>> -> memref<1x128x128xf32, #tpu.memory_space<vmem>>
    %dma_wait3A_194 = tpu.memref_squeeze %dma_wait3A_193 : memref<1x128x128xf32, #tpu.memory_space<vmem>> -> memref<128x128xf32, #tpu.memory_space<vmem>>
    %dma_wait3A_195 = arith.constant 25472 : i32
    %dma_wait3A_196 = tpu.memref_slice %arg5[%dma_wait3A_195] : memref<25600xi32, #tpu.memory_space<vmem>> -> memref<128xi32, #tpu.memory_space<vmem>>
    %dma_wait3A_197 = arith.constant 0 : i32
    %dma_wait3A_198 = arith.constant 0 : i32
    %dma_wait3A_199 = tpu.memref_slice %arg3[%dma_wait3A_197, %dma_wait3A_198] : memref<100000x128xf32, #tpu.memory_space<hbm>> -> memref<100000x128xf32, #tpu.memory_space<hbm>>
    tpu.wait_indirect_dma semaphore(%arg11 : memref<!tpu.dma_semaphore, #tpu.memory_space<semaphore_mem>>) src(%dma_wait3A_199 : memref<100000x128xf32, #tpu.memory_space<hbm>>) dst(%dma_wait3A_194 : memref<128x128xf32, #tpu.memory_space<vmem>>)
    %dma_start3A_200 = arith.constant 3 : i32
    %dma_start3A_201 = arith.constant 1 : i32
    %dma_start3A_202 = arith.constant 0 : i32
    %dma_start3A_203 = arith.constant 0 : i32
    %dma_start3A_204 = tpu.memref_slice %arg6[%dma_start3A_200, %dma_start3A_202, %dma_start3A_203] : memref<4x128x128xf32, #tpu.memory_space<vmem>> -> memref<1x128x128xf32, #tpu.memory_space<vmem>>
    %dma_start3A_205 = tpu.memref_squeeze %dma_start3A_204 : memref<1x128x128xf32, #tpu.memory_space<vmem>> -> memref<128x128xf32, #tpu.memory_space<vmem>>
    %dma_start3A_206 = arith.constant 0 : i32
    %dma_start3A_207 = arith.constant 0 : i32
    %dma_start3A_208 = tpu.memref_slice %arg7[%arg1, %dma_start3A_201, %dma_start3A_206, %dma_start3A_207] : memref<16x2x128x128xf32, #tpu.memory_space<vmem_shared>> -> memref<1x1x128x128xf32, #tpu.memory_space<vmem_shared>>
    %dma_start3A_209 = tpu.memref_squeeze %dma_start3A_208 : memref<1x1x128x128xf32, #tpu.memory_space<vmem_shared>> -> memref<128x128xf32, #tpu.memory_space<vmem_shared>>
    %dma_start3A_210 = arith.constant 0 : i32
    %dma_start3A_211 = arith.constant 0 : i32
    %dma_start3A_212 = tpu.memref_slice %arg7[%arg1, %dma_start3A_201, %dma_start3A_210, %dma_start3A_211] : memref<16x2x128x128xf32, #tpu.memory_space<vmem_shared>> -> memref<1x1x128x128xf32, #tpu.memory_space<vmem_shared>>
    %dma_start3A_213 = tpu.memref_squeeze %dma_start3A_212 : memref<1x1x128x128xf32, #tpu.memory_space<vmem_shared>> -> memref<128x128xf32, #tpu.memory_space<vmem_shared>>
    %dma_start3A_214 = arith.constant 0 : i32
    %dma_start3A_215 = arith.constant 0 : i32
    %dma_start3A_216 = tpu.memref_slice %arg6[%dma_start3A_200, %dma_start3A_214, %dma_start3A_215] : memref<4x128x128xf32, #tpu.memory_space<vmem>> -> memref<1x128x128xf32, #tpu.memory_space<vmem>>
    %dma_start3A_217 = tpu.memref_squeeze %dma_start3A_216 : memref<1x128x128xf32, #tpu.memory_space<vmem>> -> memref<128x128xf32, #tpu.memory_space<vmem>>
    tpu.enqueue_dma source(%dma_start3A_217 : memref<128x128xf32, #tpu.memory_space<vmem>>) target(%dma_start3A_213 : memref<128x128xf32, #tpu.memory_space<vmem_shared>>) target_semaphore(%arg19 : memref<!tpu.dma_semaphore, #tpu.memory_space<semaphore_mem>>)
    %dma_wait3A_218 = arith.constant 3 : i32
    %dma_wait3A_219 = arith.constant 1 : i32
    %dma_wait3A_220 = arith.constant 0 : i32
    %dma_wait3A_221 = arith.constant 0 : i32
    %dma_wait3A_222 = tpu.memref_slice %arg6[%dma_wait3A_218, %dma_wait3A_220, %dma_wait3A_221] : memref<4x128x128xf32, #tpu.memory_space<vmem>> -> memref<1x128x128xf32, #tpu.memory_space<vmem>>
    %dma_wait3A_223 = tpu.memref_squeeze %dma_wait3A_222 : memref<1x128x128xf32, #tpu.memory_space<vmem>> -> memref<128x128xf32, #tpu.memory_space<vmem>>
    %dma_wait3A_224 = arith.constant 0 : i32
    %dma_wait3A_225 = arith.constant 0 : i32
    %dma_wait3A_226 = tpu.memref_slice %arg7[%arg1, %dma_wait3A_219, %dma_wait3A_224, %dma_wait3A_225] : memref<16x2x128x128xf32, #tpu.memory_space<vmem_shared>> -> memref<1x1x128x128xf32, #tpu.memory_space<vmem_shared>>
    %dma_wait3A_227 = tpu.memref_squeeze %dma_wait3A_226 : memref<1x1x128x128xf32, #tpu.memory_space<vmem_shared>> -> memref<128x128xf32, #tpu.memory_space<vmem_shared>>
    %dma_wait3A_228 = arith.constant 0 : i32
    %dma_wait3A_229 = arith.constant 0 : i32
    %dma_wait3A_230 = tpu.memref_slice %arg7[%arg1, %dma_wait3A_219, %dma_wait3A_228, %dma_wait3A_229] : memref<16x2x128x128xf32, #tpu.memory_space<vmem_shared>> -> memref<1x1x128x128xf32, #tpu.memory_space<vmem_shared>>
    %dma_wait3A_231 = tpu.memref_squeeze %dma_wait3A_230 : memref<1x1x128x128xf32, #tpu.memory_space<vmem_shared>> -> memref<128x128xf32, #tpu.memory_space<vmem_shared>>
    %dma_wait3A_232 = arith.constant 0 : i32
    %dma_wait3A_233 = arith.constant 0 : i32
    %dma_wait3A_234 = tpu.memref_slice %arg6[%dma_wait3A_218, %dma_wait3A_232, %dma_wait3A_233] : memref<4x128x128xf32, #tpu.memory_space<vmem>> -> memref<1x128x128xf32, #tpu.memory_space<vmem>>
    %dma_wait3A_235 = tpu.memref_squeeze %dma_wait3A_234 : memref<1x128x128xf32, #tpu.memory_space<vmem>> -> memref<128x128xf32, #tpu.memory_space<vmem>>
    tpu.wait_dma2 semaphore(%arg19 : memref<!tpu.dma_semaphore, #tpu.memory_space<semaphore_mem>>) src(%dma_wait3A_235 : memref<128x128xf32, #tpu.memory_space<vmem>>) dst(%dma_wait3A_231 : memref<128x128xf32, #tpu.memory_space<vmem_shared>>)
    %add3A_236 = arith.constant 25472 : i32
    %add3A_237 = arith.addi %mul3A_2, %add3A_236 : i32
    %dma_start3A_238 = arith.constant 1 : i32
    %dma_start3A_239 = arith.constant 0 : i32
    %dma_start3A_240 = tpu.memref_slice %arg4[%add3A_237, %dma_start3A_239] : memref<819200x128xf32, #tpu.memory_space<hbm>> -> memref<128x128xf32, #tpu.memory_space<hbm>>
    %dma_start3A_241 = arith.constant 0 : i32
    %dma_start3A_242 = arith.constant 0 : i32
    %dma_start3A_243 = tpu.memref_slice %arg7[%arg1, %dma_start3A_238, %dma_start3A_241, %dma_start3A_242] : memref<16x2x128x128xf32, #tpu.memory_space<vmem_shared>> -> memref<1x1x128x128xf32, #tpu.memory_space<vmem_shared>>
    %dma_start3A_244 = tpu.memref_squeeze %dma_start3A_243 : memref<1x1x128x128xf32, #tpu.memory_space<vmem_shared>> -> memref<128x128xf32, #tpu.memory_space<vmem_shared>>
    tpu.enqueue_dma source(%dma_start3A_244 : memref<128x128xf32, #tpu.memory_space<vmem_shared>>) target(%dma_start3A_240 : memref<128x128xf32, #tpu.memory_space<hbm>>) target_semaphore(%arg15 : memref<!tpu.dma_semaphore, #tpu.memory_space<semaphore_mem>>)
    %add3A_245 = arith.constant 25472 : i32
    %add3A_246 = arith.addi %mul3A_2, %add3A_245 : i32
    %dma_wait3A_247 = arith.constant 1 : i32
    %dma_wait3A_248 = arith.constant 0 : i32
    %dma_wait3A_249 = tpu.memref_slice %arg4[%add3A_246, %dma_wait3A_248] : memref<819200x128xf32, #tpu.memory_space<hbm>> -> memref<128x128xf32, #tpu.memory_space<hbm>>
    %dma_wait3A_250 = arith.constant 0 : i32
    %dma_wait3A_251 = arith.constant 0 : i32
    %dma_wait3A_252 = tpu.memref_slice %arg7[%arg1, %dma_wait3A_247, %dma_wait3A_250, %dma_wait3A_251] : memref<16x2x128x128xf32, #tpu.memory_space<vmem_shared>> -> memref<1x1x128x128xf32, #tpu.memory_space<vmem_shared>>
    %dma_wait3A_253 = tpu.memref_squeeze %dma_wait3A_252 : memref<1x1x128x128xf32, #tpu.memory_space<vmem_shared>> -> memref<128x128xf32, #tpu.memory_space<vmem_shared>>
    tpu.wait_dma2 semaphore(%arg15 : memref<!tpu.dma_semaphore, #tpu.memory_space<semaphore_mem>>) src(%dma_wait3A_253 : memref<128x128xf32, #tpu.memory_space<vmem_shared>>) dst(%dma_wait3A_249 : memref<128x128xf32, #tpu.memory_space<hbm>>)
    return
  }
}

</mosaic_0001>

<sc_bundles>
// kernel: kernel.3.cloned.1.call-start
scs
__scs_entry_jumppad:
0x0: {  	(pc) =	sbr.rel $0x88, $3  }
0x1: {  	(tag) =	ssettag $0x0;
	lr =	simm.s32 $0x1  }
0x2: {  	[smem:$0x3F9F] =	sst lr;
	_ =	strace $0xD0000000  }
0x3: {  	_ = 	snop  }
0x4: {  	_ = 	snop  }
0x5: {  	_ = 	snop  }
0x6: {  	_ = 	snop  }
0x7: {  	_ = 	snop  }
__scs_overlays_trampoline_lowered:
0x8: {  	[smem:$0x3FAE] =	sst s0  }
0x9: {  	[smem:$0x3FAF] =	sst s1  }
0xa: {  	[smem:$0x3FB0] =	sst s2  }
0xb: {  	[smem:$0x3FB1] =	sst s3  }
0xc: {  	[smem:$0x3FB2] =	sst s4  }
0xd: {  	[smem:$0x3FB3] =	sst s5  }
0xe: {  	[smem:$0x3FB4] =	sst s6  }
0xf: {  	[smem:$0x3FB5] =	sst s7  }
0x10: {  	[smem:$0x3FB6] =	sst s8  }
0x11: {  	[smem:$0x3FB7] =	sst s9;
	s0 =	simm.s32 @!p0 $0x0  }
0x12: {  	s1 =	sld [smem:$0x3F9D];
	s0 =	simm.s32 @p0 $0x1  }
0x13: {  	[smem:$0x3FB8] =	sst s0;
	s0 =	simm.s32 @!p1 $0x0  }
0x14: {  	s2 =	sld [smem:$0x3F9C];
	s0 =	simm.s32 @p1 $0x1  }
0x15: {  	[smem:$0x3FB9] =	sst s0;
	s0 =	simm.s32 @!p2 $0x0  }
0x16: {  	s3 =	sld [smem:$0x3FDB];
	s0 =	simm.s32 @p2 $0x1  }
0x17: {  	s4 =	simm.s32 $0x1BF5;
	[smem:$0x3FBB] =	sst s0  }
0x18: {  	s0 =	sld [smem:$0x3F9E];
	_ =	swait.ge [sflag:s4], $0x0  }
0x19: {  	s7 =	sld [smem:$0x3F9F]  }
0x1a: {  	s8 =	sadd.s32 $0xFFFFE003, lr  }
0x1b: {  	s9 =	sadd.s32 $0xFFFFFEF7, lr;
	s5 =	simm.s32 $0xFFFFFFFF;
	p2 =	slt.u32 s8, $0xFFFFF086  }
0x1c: {  	p1 =	slt.u32 s9, $0xF7A;
	s5 =	simm.s32 @!p2 $0x0  }
0x1d: {  	s5 =	simm.s32 @p1 $0x1;
	p0 =	seq.s32 s7, s2  }
0x1e: {  	s7 =	smul.u32 @!p0 $0xF7A, s2;
	p2 =	seq.s32 @!p0 s5, $0x0  }
0x1f: {  	s9 =	smul.u32 $0xF7A, s1;
	s8 =	simm.s32 @!p0 $0x1BF5;
	p2 =	por !p2, p0  }
0x20: {  	[sflag:s8] =	ssyncset.s32 @!p0 $0xFFFFF086;
	s6 =	sadd.s32 @!p0 s3, s7;
	s7 =	simm.s32 @!p0 $0x108  }
0x21: {  	s3 =	sadd.s32 s3, s9;
	s6 =	sadd.s32 @!p0 $0x88, s6;
	s7 =	simm.s32 @p2 $0x1082  }
0x22: {  	[simem:s7], [sflag:s8] =	dma.local @!p0 [hbm:s6], $0xF7A  }
0x23: {  	s9 =	sor.u32 $0xD0000000, s2;
	s6 =	simm.s32 $0x108;
	_ =	swait.ge @!p0 [sflag:s8], $0x0  }
0x24: {  	s3 =	sadd.s32 $0x88, s3;
	s6 =	simm.s32 @!p1 $0x1082;
	[sflag:s4] =	ssyncset.s32 $0xFFFFF086  }
0x25: {  	[simem:s6], [sflag:s4] =	dma.local [hbm:s3], $0xF7A  }
0x26: {  	[smem:$0x3F9F] =	sst s1;
	(tag) =	ssettag s2;
	_ =	strace s9  }
0x27: {  	s1 =	sld [smem:$0x3FAF]  }
0x28: {  	s2 =	sld [smem:$0x3FB0]  }
0x29: {  	s4 =	sld [smem:$0x3FB2]  }
0x2a: {  	p0 =	seq.s32 s5, $0x0;
	s5 =	sld [smem:$0x3FB3]  }
0x2b: {  	s6 =	sld [smem:$0x3FB4]  }
0x2c: {  	s7 =	sld [smem:$0x3FB5]  }
0x2d: {  	s3 =	simm.s32 $0x108;
	s8 =	sld [smem:$0x3FB6]  }
0x2e: {  	s3 =	simm.s32 @!p0 $0x1082;
	s9 =	sld [smem:$0x3FB7]  }
0x2f: {  	lr =	sadd.s32 s0, s3;
	s0 =	sld [smem:$0x3FAE]  }
0x30: {  	s3 =	sld [smem:$0x3FB1]  }
0x31: {  	[smem:$0x3FBA] =	sst s10  }
0x32: {  	s10 =	sld [smem:$0x3FB8];
	_ =	sdelay $0x3  }
0x33: {  	p0 =	seq.s32 s10, $0x1;
	s10 =	sld [smem:$0x3FBA];
	_ =	sdelay $0x3  }
0x34: {  	[smem:$0x3FBA] =	sst s10  }
0x35: {  	s10 =	sld [smem:$0x3FB9];
	_ =	sdelay $0x3  }
0x36: {  	p1 =	seq.s32 s10, $0x1;
	s10 =	sld [smem:$0x3FBA];
	_ =	sdelay $0x3  }
0x37: {  	[smem:$0x3FBA] =	sst s10  }
0x38: {  	s10 =	sld [smem:$0x3FBB]  }
0x39: {  	_ = 	snop;
	(pc) =	sbr.ind lr, $3  }
0x3a: {  	_ = 	snop  }
0x3b: {  	_ = 	snop  }
0x3c: {  	p2 =	seq.s32 s10, $0x1;
	s10 =	sld [smem:$0x3FBA]  }
0x3d: {  	_ =	shalt  }
0x3e: {  	_ =	shalt  }
0x3f: {  	_ =	shalt  }
0x40: {  	_ =	shalt  }
0x41: {  	_ =	shalt  }
0x42: {  	_ =	shalt  }
0x43: {  	_ =	shalt  }
0x44: {  	_ =	shalt  }
0x45: {  	_ =	shalt  }
0x46: {  	_ =	shalt  }
0x47: {  	_ =	shalt  }
0x48: {  	_ =	shalt  }
0x49: {  	_ =	shalt  }
0x4a: {  	_ =	shalt  }
0x4b: {  	_ =	shalt  }
0x4c: {  	_ =	shalt  }
0x4d: {  	_ =	shalt  }
0x4e: {  	_ =	shalt  }
0x4f: {  	_ =	shalt  }
0x50: {  	_ =	shalt  }
0x51: {  	_ =	shalt  }
0x52: {  	_ =	shalt  }
0x53: {  	_ =	shalt  }
0x54: {  	_ =	shalt  }
0x55: {  	_ =	shalt  }
0x56: {  	_ =	shalt  }
0x57: {  	_ =	shalt  }
0x58: {  	_ =	shalt  }
0x59: {  	_ =	shalt  }
0x5a: {  	_ =	shalt  }
0x5b: {  	_ =	shalt  }
0x5c: {  	_ =	shalt  }
0x5d: {  	_ =	shalt  }
0x5e: {  	_ =	shalt  }
0x5f: {  	_ =	shalt  }
0x60: {  	_ =	shalt  }
0x61: {  	_ =	shalt  }
0x62: {  	_ =	shalt  }
0x63: {  	_ =	shalt  }
0x64: {  	_ =	shalt  }
0x65: {  	_ =	shalt  }
0x66: {  	_ =	shalt  }
0x67: {  	_ =	shalt  }
0x68: {  	_ =	shalt  }
0x69: {  	_ =	shalt  }
0x6a: {  	_ =	shalt  }
0x6b: {  	_ =	shalt  }
0x6c: {  	_ =	shalt  }
0x6d: {  	_ =	shalt  }
0x6e: {  	_ =	shalt  }
0x6f: {  	_ =	shalt  }
0x70: {  	_ =	shalt  }
0x71: {  	_ =	shalt  }
0x72: {  	_ =	shalt  }
0x73: {  	_ =	shalt  }
0x74: {  	_ =	shalt  }
0x75: {  	_ =	shalt  }
0x76: {  	_ =	shalt  }
0x77: {  	_ =	shalt  }
0x78: {  	_ =	shalt  }
0x79: {  	_ =	shalt  }
0x7a: {  	_ =	shalt  }
0x7b: {  	_ =	shalt  }
0x7c: {  	_ =	shalt  }
0x7d: {  	_ =	shalt  }
0x7e: {  	_ =	shalt  }
0x7f: {  	_ =	shalt  }
0x80: {  	_ =	shalt  }
0x81: {  	_ =	shalt  }
0x82: {  	_ =	shalt  }
0x83: {  	_ =	shalt  }
0x84: {  	_ =	shalt  }
0x85: {  	_ =	shalt  }
0x86: {  	_ =	shalt  }
0x87: {  	_ =	shalt  }
.Lfunc_end0:
.L_simem_size_0:
called_computation_lowered:
.L_overlay_start_0:
0x88: {  	s2 =	sld [smem:$0x3FD9]  }
0x89: {  	s3 =	sld [smem:$0x3FFE];
	_ =	sdelay $0x1  }
0x8a: {  	s1 =	srdreg.scid  }
0x8b: {  	s0 =	sand.u32 $0x1, s1  }
0x8c: {  	s17 =	sshll.u32 s0, $0xA;
	s2 =	sadd.s32 s3, s2  }
0x8d: {  	s2 =	sadd.s32 s2, s17  }
0x8e: {  	[smem:$0x3FC6] =	sst s2  }
0x8f: {  	_ = 	snop  }
0x90: {  	s2 =	sld [smem:$0x3FC8]  }
0x91: {  	s18 =	sld [smem:$0x3FD0];
	(tm) =	ssettm $0x1  }
0x92: {  	s4 =	sld [smem:$0x3FFB];
	_ =	sdelay $0x3  }
0x93: {  	_ =	strace s4  }
0x94: {  	s4 =	sld [smem:$0x3FFC];
	_ =	sdelay $0x3  }
0x95: {  	_ =	strace s4  }
0x96: {  	s4 =	sld [smem:$0x3FFD];
	_ =	sdelay $0x3  }
0x97: {  	_ =	strace s4  }
0x98: {  	_ =	strace $0x8FFFFFFF  }
0x99: {  	s19 =	sld [smem:$0x3FDB];
	_ =	sdelay $0x1  }
0x9a: {  	s5 =	simm.s32 $_scs_section_size  }
0x9b: {  	s6 =	simm.s32 $_size__tile_overlayer_lowered;
	s7 =	simm.s32 $_tile_overlayer_lowered  }
0x9c: {  	s22 =	simm.s32 $0x1BFF;
	s21 =	sshll.u32 s7, $0x1;
	s4 =	sadd.s32 s5, s19  }
0x9d: {  	s8 =	simm.s32 $0x0;
	s20 =	sshll.u32 s6, $0x1;
	s6 =	sadd.s32 s21, s4  }
0x9e: {  	[timem:s8], [sflag:s22] =	dma.local [hbm:s6], s20  }
0x9f: {  	_ =	swait.ge [sflag:s22], s20  }
0xa0: {  	s5 =	ssub.s32 $0x0, s20;
	[sflag:s22] =	ssyncset.done $0x0  }
0xa1: {  	[sflag:s22] =	ssyncadd.s32 s5;
	_ =	sdelay $0x1  }
0xa2: {  	s23 =	simm.s32 $0x1B8B  }
0xa3: {  	_ =	swait.ge [sflag:s23], $0x1  }
0xa4: {  	[sflag:s23] =	ssyncset.done $0x0  }
0xa5: {  	s25 =	simm.s32 $0x1B8E;
	s24 =	sld [smem:$0x3FFE];
	[sflag:s23] =	ssyncadd.s32 $0xFFFFFFFF  }
0xa6: {  	s26 =	simm.s32 $execute0_lowered;
	[smem:$0x3FD2] =	sst s25  }
0xa7: {  	s6 =	sshll.u32 s26, $0x1;
	_ =	strace $0x80000046;
	[dreg:$0x1] =	wrdreg $0xFFFFFFFF  }
0xa8: {  	s28 =	simm.s32 $_size_execute0_lowered;
	s4 =	sadd.s32 s4, s6;
	[dreg:$0x0] =	wrdreg $0x0  }
0xa9: {  	s6 =	sshll.u32 s28, $0x1;
	[dreg:$0x2] =	wrdreg s4  }
0xaa: {  	[dreg:$0x3] =	wrdreg s6  }
0xab: {  	[dreg:$0x4] =	wrdreg $0xC0  }
0xac: {  	_ =	task [dreg:s8], $0x5FFFF  }
0xad: {  	[dreg:$0x1] =	wrdreg $0xFFFFFFFF  }
0xae: {  	[dreg:$0x0] =	wrdreg $0x60  }
0xaf: {  	[dreg:$0x2] =	wrdreg s24  }
0xb0: {  	[dreg:$0x3] =	wrdreg s2  }
0xb1: {  	[dreg:$0x4] =	wrdreg s18  }
0xb2: {  	[dreg:$0x5] =	wrdreg $0x164000  }
0xb3: {  	[dreg:$0x6] =	wrdreg $0x9  }
0xb4: {  	_ =	task.clear_ibuf [dreg:s8], $0x7FFFF;
	_ =	strace $0x90000046  }
0xb5: {  	s29 =	simm.s32 $0x9;
	_ =	strace $0x80000048  }
0xb6: {  	_ =	swait.ge [sflag:s29], $0x1  }
0xb7: {  	[sflag:s29] =	ssyncadd.s32 $0xFFFFFFFF  }
0xb8: {  	_ =	strace $0x90000048  }
0xb9: {  	_ =	sfence  }
0xba: {  	s30 =	sld [smem:$0x0];
	_ =	sdelay $0x2  }
0xbb: {  	s31 =	sshll.u32 s1, $0xD;
	s1 =	sshrl.u32 s1, $0x2  }
0xbc: {  	s3 =	sand.u32 $0x4000, s31;
	s1 =	sadd.s32 s1, s30  }
0xbd: {  	s0 =	sor.u32 s3, s0;
	s1 =	sshll.u32 s1, $0x11  }
0xbe: {  	s0 =	sor.u32 s1, s0  }
0xbf: {  	s0 =	sadd.s32 $0x8F2B, s0  }
0xc0: {  	[sflag:s0] =	ssyncadd.remote.s32 $0x1  }
0xc1: {  	_ =	sfence.sel $0xFFFF  }
0xc2: {  	[dreg:$0x0] =	wrdreg $0xFFFFFFFF;
	(pc) =	sbr.abs _section_cstart, $3  }
0xc3: {  	[dreg:$0x1] =	wrdreg $0xFFFFFFFF  }
0xc4: {  	_ =	task.clear_ibuf [dreg:s8], $0x2FFFF;
	_ =	strace $0x9FFFFFFF  }
0xc5: {  	(tm) =	ssettm $0x7FFFFFFF  }
tec
execute0_lowered:
.L_overlay_start_1:
0x0: {  	(tag) =	ssettag $0x1  }
0x1: {  	s0 =	rddreg [dreg:$0x0]  }
0x2: {  	s1 =	rddreg [dreg:$0x1]  }
0x3: {  	s2 =	srdreg.scid;
	s5 =	rddreg [dreg:$0x2]  }
0x4: {  	s11 =	stileid.u32;
	s4 =	rddreg [dreg:$0x3]  }
0x5: {  	s12 =	simm.s32 $0xB;
	s13 =	simm.s32 $0x80;
	s14 =	simm.s32 $0x6400  }
0x6: {  	s15 =	simm.s32 $0xA400;
	s17 =	simm.s32 $0xE400;
	s28 =	simm.s32 $0x4  }
0x7: {  	s29 =	simm.s32 $0xA;
	s30 =	simm.s32 $0x8;
	s9 =	smul.u32 $0x640000, s11  }
0x8: {  	s31 =	simm.s32 $0x0;
	s2 =	sand.u32 $0x1, s2;
	s22 =	smul.u32 $0xC8000, s11  }
0x9: {  	s3 =	sshll.u32 s11, $0x1;
	s19 =	sshll.u32 s11, $0xF;
	s10 =	smul.u32 $0x320000, s2  }
0xa: {  	s6 =	sor.u32 s2, s3;
	s8 =	ssub.s32 $0x2, s2;
	s2 =	smul.u32 $0x64000, s2  }
0xb: {  	s3 =	simm.s32 $0x0;
	s4 =	sadd.s32 s19, s4;
	s7 =	smul.u32 $0x6400, s6  }
0xc: {  	s19 =	simm.s32 $0x12400;
	[smem:$0x7FF] =	sst s3;
	s6 =	smul.u32 $0x320000, s6  }
0xd: {  	s18 =	sshrl.u32 s8, $0x1;
	_ =	strace $0x80000047;
	s9 =	sadd.s32 s10, s9  }
0xe: {  	s7 =	sshrl.u32 s7, $0x3;
	s20 =	sshrl.u32 s6, $0x3;
	s6 =	sadd.s32 $0x4000, s4  }
0xf: {  	s24 =	sshrl.u32 s9, $0x3;
	s0 =	sadd.s32 s7, s0;
	s7 =	ssub.s32 s8, s18  }
0x10: {  	s21 =	sadd.s32 s5, s20;
	s11 =	sadd.s32 s24, s5;
	s5 =	sadd.s32 s22, s5  }
0x11: {  	s20 =	simm.s32 $0x1;
	s0 =	sadd.s32 $0x400, s0;
	[dreg:$0x5] =	wrdreg s11  }
0x12: {  	s22 =	simm.s32 $0x2;
	s8 =	sadd.s32 $0x62000, s21;
	[dreg:$0x7] =	wrdreg s0  }
0x13: {  	s24 =	simm.s32 $0x6;
	s23 =	sadd.s32 $0x62800, s21;
	[dreg:$0x8] =	wrdreg s8  }
0x14: {  	s25 =	sadd.s32 $0x63000, s21;
	s26 =	sadd.s32 s2, s5;
	[dreg:$0x9] =	wrdreg s23  }
0x15: {  	s11 =	smax.u32 s7, $0x1;
	[dreg:$0xa] =	wrdreg s25;
	s0 =	sadd.s32 $0x63800, s21  }
0x16: {  	[dreg:$0x6] =	wrdreg s26;
	s21 =	simm.s32 $0x5;
	s23 =	simm.s32 $0x9  }
0x17: {  	s25 =	simm.s32 $0x3;
	s26 =	simm.s32 $0x7;
	[dreg:$0xb] =	wrdreg s0  }
.LBB2_1:
0x18: {  	s0 =	rddreg [dreg:$0x7]  }
0x19: {  	[tilespmem:s3], [sflag:$0xB] =	stream.linear.gather [hbm4b:s0+s3], $0x6400, $0x38;
	[tilespmem:$0x1E400] =	vst v63  }
0x1a: {  	_ =	swait.ge [sflag:s12], $0x6400  }
0x1b: {  	[sflag:s12] =	ssyncset.done $0x0  }
0x1c: {  	[sflag:s12] =	ssyncadd.s32 $0xFFFF9C00  }
0x1d: {  	[tilespmem:s14], [sflag:$0x1] =	stream.indirect.gather [hbm4b:s1+s13], $0x80, s3, s13, $0xb8;
	[tilespmem:$0x1E400] =	vst v63  }
0x1e: {  	_ = 	snop  }
0x1f: {  	[tilespmem:s15], [sflag:$0x2] =	stream.indirect.gather [hbm4b:s1+s13], $0x80, s13, s13, $0xb8;
	[tilespmem:$0x1E400] =	vst v63  }
0x20: {  	s18 =	simm.s32 $0x100  }
0x21: {  	[tilespmem:s17], [sflag:$0x3] =	stream.indirect.gather [hbm4b:s1+s13], $0x80, s18, s13, $0xb8;
	[tilespmem:$0x1E400] =	vst v63  }
0x22: {  	s2 =	simm.s32 $0x180  }
0x23: {  	[tilespmem:s19], [sflag:$0x4] =	stream.indirect.gather [hbm4b:s1+s13], $0x80, s2, s13, $0xb8;
	[tilespmem:$0x1E400] =	vst v63  }
0x24: {  	_ =	swait.ge [sflag:s20], $0x4000  }
0x25: {  	s5 =	rddreg [dreg:$0x5];
	[sflag:s20] =	ssyncset.done $0x0  }
0x26: {  	[sflag:s20] =	ssyncadd.s32 $0xFFFFC000;
	s0 =	sadd.s32 $0x0, s5  }
0x27: {  	[hbm4b:s0+s3] =	stream.linear.scatter [tilespmem:s14], [sflag:$0x5], $0x4000, $0x38;
	[tilespmem:$0x1E400] =	vst v63  }
0x28: {  	_ =	swait.ge [sflag:s21], $0x4000  }
0x29: {  	[sflag:s21] =	ssyncset.done $0x0  }
0x2a: {  	s7 =	simm.s32 $0x200;
	[sflag:s21] =	ssyncadd.s32 $0xFFFFC000  }
0x2b: {  	[tilespmem:s14], [sflag:$0x1] =	stream.indirect.gather [hbm4b:s1+s13], $0x80, s7, s13, $0xb8;
	[tilespmem:$0x1E400] =	vst v63  }
0x2c: {  	_ =	swait.ge [sflag:s22], $0x4000  }
0x2d: {  	[sflag:s22] =	ssyncset.done $0x0  }
0x2e: {  	s9 =	stileid.u32;
	[sflag:s22] =	ssyncadd.s32 $0xFFFFC000  }
0x2f: {  	[spmem:s4] =	stream.linear.scatter [tilespmem:s15], [sflag:$0x9], $0x4000, $0x38;
	[tilespmem:$0x1E400] =	vst v63  }
0x30: {  	s16 =	sshll.u32 s9, $0x6;
	_ =	swait.ge [sflag:s23], $0x4000  }
0x31: {  	s2 =	sor.u32 $0x1C06, s16;
	s8 =	rddreg [dreg:$0x6]  }
0x32: {  	s5 =	simm.s32 $0x280;
	[sflag:s23] =	ssyncset.done $0x0;
	s7 =	sadd.s32 $0x0, s8  }
0x33: {  	s0 =	sshrl.u32 s4, $0x3;
	[sflag:s23] =	ssyncadd.s32 $0xFFFFC000;
	s18 =	sadd.s32 $0x800, s7  }
0x34: {  	[hbm:s18], [sflag:s2] =	dma.local [spmem:s0], $0x800  }
0x35: {  	[tilespmem:s15], [sflag:$0x2] =	stream.indirect.gather [hbm4b:s1+s13], $0x80, s5, s13, $0xb8;
	[tilespmem:$0x1E400] =	vst v63  }
0x36: {  	_ =	swait.ge [sflag:s24], $0x800  }
0x37: {  	[sflag:s24] =	ssyncset.done $0x0  }
0x38: {  	[sflag:s24] =	ssyncadd.s32 $0xFFFFF800  }
0x39: {  	_ =	swait.ge [sflag:s25], $0x4000  }
0x3a: {  	[sflag:s25] =	ssyncset.done $0x0  }
0x3b: {  	s10 =	sadd.s32 $0x1000, s7;
	[sflag:s25] =	ssyncadd.s32 $0xFFFFC000  }
0x3c: {  	[hbm4b:s10+s3] =	stream.linear.scatter [tilespmem:s17], [sflag:$0x7], $0x4000, $0x38;
	[tilespmem:$0x1E400] =	vst v63  }
0x3d: {  	_ =	swait.ge [sflag:s26], $0x4000  }
0x3e: {  	[sflag:s26] =	ssyncset.done $0x0  }
0x3f: {  	s18 =	simm.s32 $0x300;
	[sflag:s26] =	ssyncadd.s32 $0xFFFFC000  }
0x40: {  	[tilespmem:s17], [sflag:$0x3] =	stream.indirect.gather [hbm4b:s1+s13], $0x80, s18, s13, $0xb8;
	[tilespmem:$0x1E400] =	vst v63  }
0x41: {  	_ =	swait.ge [sflag:s28], $0x4000  }
0x42: {  	[sflag:s28] =	ssyncset.done $0x0  }
0x43: {  	[sflag:s28] =	ssyncadd.s32 $0xFFFFC000  }
0x44: {  	[spmem:s6] =	stream.linear.scatter [tilespmem:s19], [sflag:$0xA], $0x4000, $0x38;
	[tilespmem:$0x1E400] =	vst v63  }
0x45: {  	_ =	swait.ge [sflag:s29], $0x4000  }
0x46: {  	s16 =	sor.u32 $0x1C08, s16;
	s7 =	sadd.s32 $0x1800, s7;
	[sflag:s29] =	ssyncset.done $0x0  }
0x47: {  	s5 =	simm.s32 $0x380;
	s18 =	sshrl.u32 s6, $0x3;
	[sflag:s29] =	ssyncadd.s32 $0xFFFFC000  }
0x48: {  	[hbm:s7], [sflag:s16] =	dma.local [spmem:s18], $0x800  }
0x49: {  	[tilespmem:s19], [sflag:$0x4] =	stream.indirect.gather [hbm4b:s1+s13], $0x80, s5, s13, $0xb8;
	[tilespmem:$0x1E400] =	vst v63  }
0x4a: {  	_ =	swait.ge [sflag:s30], $0x800  }
0x4b: {  	s7 =	simm.s32 $0x2000;
	[sflag:s30] =	ssyncset.done $0x0  }
.LBB2_2:
0x4c: {  	[sflag:s30] =	ssyncadd.s32 $0xFFFFF800  }
0x4d: {  	_ =	swait.ge [sflag:s20], $0x4000  }
0x4e: {  	s8 =	smov.u32 s7;
	s9 =	rddreg [dreg:$0x5];
	[sflag:s20] =	ssyncset.done $0x0  }
0x4f: {  	[sflag:s20] =	ssyncadd.s32 $0xFFFFC000;
	s9 =	sadd.s32 s8, s9  }
0x50: {  	[hbm4b:s9+s3] =	stream.linear.scatter [tilespmem:s14], [sflag:$0x5], $0x4000, $0x38;
	[tilespmem:$0x1E400] =	vst v63  }
0x51: {  	_ =	swait.ge [sflag:s21], $0x4000  }
0x52: {  	s5 =	sadd.s32 $0x200, s5;
	[sflag:s21] =	ssyncset.done $0x0  }
0x53: {  	s10 =	sadd.s32 $0xFFFFFE80, s5;
	[sflag:s21] =	ssyncadd.s32 $0xFFFFC000  }
0x54: {  	[tilespmem:s14], [sflag:$0x1] =	stream.indirect.gather [hbm4b:s1+s13], $0x80, s10, s13, $0xb8;
	[tilespmem:$0x1E400] =	vst v63  }
0x55: {  	_ =	swait.ge [sflag:s22], $0x4000  }
0x56: {  	[sflag:s22] =	ssyncset.done $0x0  }
0x57: {  	[sflag:s22] =	ssyncadd.s32 $0xFFFFC000  }
0x58: {  	[spmem:s4] =	stream.linear.scatter [tilespmem:s15], [sflag:$0x9], $0x4000, $0x38;
	[tilespmem:$0x1E400] =	vst v63  }
0x59: {  	_ =	swait.ge [sflag:s23], $0x4000  }
0x5a: {  	s10 =	rddreg [dreg:$0x6]  }
0x5b: {  	[sflag:s23] =	ssyncset.done $0x0;
	s8 =	sadd.s32 s8, s10  }
0x5c: {  	s9 =	sadd.s32 $0xFFFFFF00, s5;
	[sflag:s23] =	ssyncadd.s32 $0xFFFFC000;
	s10 =	sadd.s32 $0x800, s8  }
0x5d: {  	[hbm:s10], [sflag:s2] =	dma.local [spmem:s0], $0x800  }
0x5e: {  	[tilespmem:s15], [sflag:$0x2] =	stream.indirect.gather [hbm4b:s1+s13], $0x80, s9, s13, $0xb8;
	[tilespmem:$0x1E400] =	vst v63  }
0x5f: {  	_ =	swait.ge [sflag:s24], $0x800  }
0x60: {  	[sflag:s24] =	ssyncset.done $0x0  }
0x61: {  	[sflag:s24] =	ssyncadd.s32 $0xFFFFF800  }
0x62: {  	_ =	swait.ge [sflag:s25], $0x4000  }
0x63: {  	[sflag:s25] =	ssyncset.done $0x0  }
0x64: {  	s10 =	sadd.s32 $0x1000, s8;
	[sflag:s25] =	ssyncadd.s32 $0xFFFFC000  }
0x65: {  	[hbm4b:s10+s3] =	stream.linear.scatter [tilespmem:s17], [sflag:$0x7], $0x4000, $0x38;
	[tilespmem:$0x1E400] =	vst v63  }
0x66: {  	_ =	swait.ge [sflag:s26], $0x4000  }
0x67: {  	[sflag:s26] =	ssyncset.done $0x0  }
0x68: {  	s10 =	sadd.s32 $0xFFFFFF80, s5;
	[sflag:s26] =	ssyncadd.s32 $0xFFFFC000  }
0x69: {  	[tilespmem:s17], [sflag:$0x3] =	stream.indirect.gather [hbm4b:s1+s13], $0x80, s10, s13, $0xb8;
	[tilespmem:$0x1E400] =	vst v63  }
0x6a: {  	_ =	swait.ge [sflag:s28], $0x4000  }
0x6b: {  	[sflag:s28] =	ssyncset.done $0x0  }
0x6c: {  	[sflag:s28] =	ssyncadd.s32 $0xFFFFC000  }
0x6d: {  	[spmem:s6] =	stream.linear.scatter [tilespmem:s19], [sflag:$0xA], $0x4000, $0x38;
	[tilespmem:$0x1E400] =	vst v63  }
0x6e: {  	_ =	swait.ge [sflag:s29], $0x4000  }
0x6f: {  	p0 =	sne.s32 s7, $0x60000;
	[sflag:s29] =	ssyncset.done $0x0  }
.Ltmp0:
0x70: {  	s8 =	sadd.s32 $0x1800, s8;
	[sflag:s29] =	ssyncadd.s32 $0xFFFFC000;
	(pc) =	sbr.rel @p0 .LBB2_2-.Ltmp0, $4  }
0x71: {  	[hbm:s8], [sflag:s16] =	dma.local [spmem:s18], $0x800  }
0x72: {  	[tilespmem:s19], [sflag:$0x4] =	stream.indirect.gather [hbm4b:s1+s13], $0x80, s5, s13, $0xb8;
	[tilespmem:$0x1E400] =	vst v63  }
0x73: {  	_ =	swait.ge [sflag:s30], $0x800  }
0x74: {  	s7 =	sadd.s32 $0x2000, s7;
	[sflag:s30] =	ssyncset.done $0x0  }
0x75: {  	[sflag:s30] =	ssyncadd.s32 $0xFFFFF800  }
0x76: {  	_ =	swait.ge [sflag:s20], $0x4000  }
0x77: {  	[sflag:s20] =	ssyncset.done $0x0  }
0x78: {  	s5 =	rddreg [dreg:$0x8];
	[sflag:s20] =	ssyncadd.s32 $0xFFFFC000  }
0x79: {  	[hbm4b:s5+s3] =	stream.linear.scatter [tilespmem:s14], [sflag:$0x5], $0x4000, $0x38;
	[tilespmem:$0x1E400] =	vst v63  }
0x7a: {  	_ =	swait.ge [sflag:s21], $0x4000  }
0x7b: {  	[sflag:s21] =	ssyncset.done $0x0  }
0x7c: {  	[sflag:s21] =	ssyncadd.s32 $0xFFFFC000  }
0x7d: {  	_ =	swait.ge [sflag:s22], $0x4000  }
0x7e: {  	[sflag:s22] =	ssyncset.done $0x0  }
0x7f: {  	[sflag:s22] =	ssyncadd.s32 $0xFFFFC000  }
0x80: {  	[spmem:s4] =	stream.linear.scatter [tilespmem:s15], [sflag:$0x9], $0x4000, $0x38;
	[tilespmem:$0x1E400] =	vst v63  }
0x81: {  	_ =	swait.ge [sflag:s23], $0x4000  }
0x82: {  	[sflag:s23] =	ssyncset.done $0x0  }
0x83: {  	s8 =	rddreg [dreg:$0x9];
	[sflag:s23] =	ssyncadd.s32 $0xFFFFC000  }
0x84: {  	[hbm:s8], [sflag:s2] =	dma.local [spmem:s0], $0x800  }
0x85: {  	_ =	swait.ge [sflag:s24], $0x800  }
0x86: {  	[sflag:s24] =	ssyncset.done $0x0  }
0x87: {  	[sflag:s24] =	ssyncadd.s32 $0xFFFFF800  }
0x88: {  	_ =	swait.ge [sflag:s25], $0x4000  }
0x89: {  	[sflag:s25] =	ssyncset.done $0x0  }
0x8a: {  	s9 =	rddreg [dreg:$0xa];
	[sflag:s25] =	ssyncadd.s32 $0xFFFFC000  }
0x8b: {  	[hbm4b:s9+s3] =	stream.linear.scatter [tilespmem:s17], [sflag:$0x7], $0x4000, $0x38;
	[tilespmem:$0x1E400] =	vst v63  }
0x8c: {  	_ =	swait.ge [sflag:s26], $0x4000  }
0x8d: {  	[sflag:s26] =	ssyncset.done $0x0  }
0x8e: {  	[sflag:s26] =	ssyncadd.s32 $0xFFFFC000  }
0x8f: {  	_ =	swait.ge [sflag:s28], $0x4000  }
0x90: {  	[sflag:s28] =	ssyncset.done $0x0  }
0x91: {  	[sflag:s28] =	ssyncadd.s32 $0xFFFFC000  }
0x92: {  	[spmem:s6] =	stream.linear.scatter [tilespmem:s19], [sflag:$0xA], $0x4000, $0x38;
	[tilespmem:$0x1E400] =	vst v63  }
0x93: {  	s31 =	sadd.s32 $0x1, s31;
	_ =	swait.ge [sflag:s29], $0x4000  }
0x94: {  	p0 =	sne.s32 s31, s11;
	[sflag:s29] =	ssyncset.done $0x0  }
.Ltmp1:
0x95: {  	s10 =	rddreg [dreg:$0xb];
	[sflag:s29] =	ssyncadd.s32 $0xFFFFC000;
	(pc) =	sbr.rel @p0 .LBB2_1-.Ltmp1, $4  }
0x96: {  	[hbm:s10], [sflag:s16] =	dma.local [spmem:s18], $0x800  }
0x97: {  	_ =	swait.ge [sflag:s30], $0x800  }
0x98: {  	[sflag:s30] =	ssyncset.done $0x0  }
0x99: {  	[sflag:s30] =	ssyncadd.s32 $0xFFFFF800  }
0x9a: {  	_ =	sfence.sel $0x180000  }
0x9b: {  	[bflag:$0x0] =	sbarrier.arrive $0xFFFF  }
0x9c: {  	_ =	strace $0x90000047  }
0x9d: {  	s0 =	stileid.u32;
	[bflag:$0x2] =	sbarrier.arrive $0xFFFF  }
0x9e: {  	p0 =	sne.s32 s0, $0x0;
	s0 =	rddreg [dreg:$0x4]  }
0x9f: {  	s0 =	sadd.s32 @!p0 $0x100000, s0  }
0xa0: {  	[sflag:s0] =	ssyncadd.tile.s32 @!p0 $0x1;
	_ =	shalt  }
.Lfunc_end2:
_tile_overlayer_lowered:
.L_overlay_start_2:
0xa1: {  	(tag) =	ssettag $0x2  }
0xa2: {  	s0 =	rddreg [dreg:$0x0];
	s2 =	stileid.u32  }
0xa3: {  	s1 =	rddreg [dreg:$0x1];
	p0 =	sne.s32 s2, $0x0  }
0xa4: {  	s3 =	rddreg [dreg:$0x2];
	[bflag:$0x3] =	sbarrier.arrive $0xFFFF;
	s2 =	simm.s32 @!p0 $0x1C0B  }
0xa5: {  	[timem:s3], [sflag:s2] =	dma.local @!p0 [hbm:s0], s1  }
0xa6: {  	s0 =	simm.s32 @!p0 $0xB  }
0xa7: {  	_ =	swait.ge @!p0 [sflag:s0], s1  }
0xa8: {  	s1 =	ssub.s32 @!p0 $0x0, s1;
	[sflag:s0] =	ssyncset.done @!p0 $0x0  }
0xa9: {  	[sflag:s0] =	ssyncadd.s32 @!p0 s1  }
0xaa: {  	[bflag:$0x3] =	sbarrier.arrive $0xFFFF  }
0xab: {  	_ =	shalt  }

</sc_bundles>
